<compile_context>
chip_gen: v7x
topology: tpu7x:2x2x1
jax: 0.10.2.dev20260603
libtpu: 0.0.44.dev20260713+nightly
codegen_flags: <defaults>
</compile_context>

<pallas_src>
import functools

import jax
import jax.numpy as jnp
from jax import lax
from jax.experimental import pallas as pl
from jax.experimental.pallas import tpu as pltpu
from jax.experimental.pallas import tpu_sc as plsc

_N = 4096
_NW = 32
_SLABS_PER_W = _N // _NW
_CHUNK = 4
_NBUF = 3
_NCHUNK = _SLABS_PER_W // _CHUNK

_mesh = plsc.VectorSubcoreMesh(core_axis_name="c", subcore_axis_name="s")


@functools.partial(
    pl.kernel,
    mesh=_mesh,
    out_type=jax.ShapeDtypeStruct((_N, 2, _N), jnp.float32),
    scratch_types=(
        [pltpu.VMEM((_CHUNK, 2, _N), jnp.float32)] * _NBUF
        + [pltpu.SemaphoreType.DMA] * (2 * _NBUF)
    ),
)
def _sc_copy(in_hbm, out_hbm, *scratch):
    wid = lax.axis_index("s") * 2 + lax.axis_index("c")
    base = wid * _SLABS_PER_W
    bufs = scratch[:_NBUF]
    sins = scratch[_NBUF:2 * _NBUF]
    souts = scratch[2 * _NBUF:]

    def in_copy(c):
        sl = pl.ds(base + c * _CHUNK, _CHUNK)
        b = c % _NBUF
        return pltpu.make_async_copy(in_hbm.at[sl], bufs[b], sins[b])

    def out_copy(c):
        sl = pl.ds(base + c * _CHUNK, _CHUNK)
        b = c % _NBUF
        return pltpu.make_async_copy(bufs[b], out_hbm.at[sl], souts[b])

    for c in range(_NBUF - 1):
        in_copy(c).start()
    for c in range(_NCHUNK):
        in_copy(c).wait()
        out_copy(c).start()
        nxt = c + _NBUF - 1
        if nxt < _NCHUNK:
            if nxt >= _NBUF:
                out_copy(nxt - _NBUF).wait()
            in_copy(nxt).start()
    for c in range(_NCHUNK - _NBUF, _NCHUNK):
        if c >= 0:
            out_copy(c).wait()


def kernel(inputs, w):
    del inputs
    x = jnp.transpose(w, (0, 2, 1))
    y = _sc_copy(x)
    return jnp.transpose(y, (0, 2, 1))

# --- scband reference (transcript-rebuilt; emitter-appended) ---
"""Pipeline reference for scband-nmf-14336600834340 (READ-ONLY COPY).

The authoritative reference and input builder live on the scoring server;
editing this copy changes nothing except your own understanding.
"""

import jax, jax.numpy as jnp
import numpy as np

SPIN_CHANNEL = 2
DIMENSIONS = (4096, 4096)

def setup_inputs(seed: int = 0) -> dict:
    key = jax.random.key(seed)
    k1, k2 = jax.random.split(key)
    # optional 'inputs' arg to call() -- it is ignored by the module
    inputs = jax.random.normal(k1, (1,), dtype=jnp.float32)
    # learned mean-field parameter: shape dimensions + [spin_channel],
    # initializer 'random_normal' (stddev 0.05 in keras)
    w = jax.random.normal(k2, DIMENSIONS + (SPIN_CHANNEL,), dtype=jnp.float32) * 0.05
    return {"inputs": inputs, "w": w}

def reference(inputs, w):
    # NMF.call(inputs): probamp is None -> returns the mean-field
    # parameter tensor unchanged (inputs is ignored).
    return w

if __name__ == "__main__":
    import jax
    _d = setup_inputs()
    print(jax.jit(kernel)(*tuple(_d.values())))

</pallas_src>

<mosaic_0001>
#map = affine_map<(d0, d1) -> (0, 0, 0)>
module attributes {stable_mosaic.version = 14 : i64} {
  func.func @_sc_copy(%arg0: i32, %arg1: i32, %arg2: memref<4096x2x4096xf32, #tpu.memory_space<hbm>>, %arg3: memref<4096x2x4096xf32, #tpu.memory_space<hbm>>, %arg4: memref<4x2x4096xf32, #tpu.memory_space<vmem>>, %arg5: memref<4x2x4096xf32, #tpu.memory_space<vmem>>, %arg6: memref<4x2x4096xf32, #tpu.memory_space<vmem>>, %arg7: memref<!tpu.dma_semaphore, #tpu.memory_space<semaphore_mem>>, %arg8: memref<!tpu.dma_semaphore, #tpu.memory_space<semaphore_mem>>, %arg9: memref<!tpu.dma_semaphore, #tpu.memory_space<semaphore_mem>>, %arg10: memref<!tpu.dma_semaphore, #tpu.memory_space<semaphore_mem>>, %arg11: memref<!tpu.dma_semaphore, #tpu.memory_space<semaphore_mem>>, %arg12: memref<!tpu.dma_semaphore, #tpu.memory_space<semaphore_mem>>) attributes {dimension_semantics = [#tpu.dimension_semantics<core_parallel>, #tpu.dimension_semantics<subcore_parallel>], iteration_bounds = array<i64: 2, 16>, scalar_prefetch = 0 : i64, scratch_operands = 9 : i64, tpu.core_type = #tpu.core_type<sc_vector_subcore>, window_params = [{transform_indices = #map}, {transform_indices = #map}]} {
    %mul3A = arith.constant 2 : i32
    %mul3A_0 = arith.muli %arg1, %mul3A : i32
    %add3A = arith.addi %mul3A_0, %arg0 : i32
    %mul3A_1 = arith.constant 128 : i32
    %mul3A_2 = arith.muli %add3A, %mul3A_1 : i32
    %add3A_3 = arith.constant 0 : i32
    %add3A_4 = arith.addi %mul3A_2, %add3A_3 : i32
    %dma_start3A = arith.constant 0 : i32
    %dma_start3A_5 = arith.constant 0 : i32
    %dma_start3A_6 = tpu.memref_slice %arg2[%add3A_4, %dma_start3A, %dma_start3A_5] : memref<4096x2x4096xf32, #tpu.memory_space<hbm>> -> memref<4x2x4096xf32, #tpu.memory_space<hbm>>
    %dma_start3A_7 = arith.constant 0 : i32
    %dma_start3A_8 = arith.constant 0 : i32
    %dma_start3A_9 = tpu.memref_slice %arg2[%add3A_4, %dma_start3A_7, %dma_start3A_8] : memref<4096x2x4096xf32, #tpu.memory_space<hbm>> -> memref<4x2x4096xf32, #tpu.memory_space<hbm>>
    tpu.enqueue_dma source(%dma_start3A_9 : memref<4x2x4096xf32, #tpu.memory_space<hbm>>) target(%arg4 : memref<4x2x4096xf32, #tpu.memory_space<vmem>>) target_semaphore(%arg7 : memref<!tpu.dma_semaphore, #tpu.memory_space<semaphore_mem>>)
    %add3A_10 = arith.constant 4 : i32
    %add3A_11 = arith.addi %mul3A_2, %add3A_10 : i32
    %dma_start3A_12 = arith.constant 0 : i32
    %dma_start3A_13 = arith.constant 0 : i32
    %dma_start3A_14 = tpu.memref_slice %arg2[%add3A_11, %dma_start3A_12, %dma_start3A_13] : memref<4096x2x4096xf32, #tpu.memory_space<hbm>> -> memref<4x2x4096xf32, #tpu.memory_space<hbm>>
    %dma_start3A_15 = arith.constant 0 : i32
    %dma_start3A_16 = arith.constant 0 : i32
    %dma_start3A_17 = tpu.memref_slice %arg2[%add3A_11, %dma_start3A_15, %dma_start3A_16] : memref<4096x2x4096xf32, #tpu.memory_space<hbm>> -> memref<4x2x4096xf32, #tpu.memory_space<hbm>>
    tpu.enqueue_dma source(%dma_start3A_17 : memref<4x2x4096xf32, #tpu.memory_space<hbm>>) target(%arg5 : memref<4x2x4096xf32, #tpu.memory_space<vmem>>) target_semaphore(%arg8 : memref<!tpu.dma_semaphore, #tpu.memory_space<semaphore_mem>>)
    %add3A_18 = arith.constant 0 : i32
    %add3A_19 = arith.addi %mul3A_2, %add3A_18 : i32
    %dma_wait3A = arith.constant 0 : i32
    %dma_wait3A_20 = arith.constant 0 : i32
    %dma_wait3A_21 = tpu.memref_slice %arg2[%add3A_19, %dma_wait3A, %dma_wait3A_20] : memref<4096x2x4096xf32, #tpu.memory_space<hbm>> -> memref<4x2x4096xf32, #tpu.memory_space<hbm>>
    %dma_wait3A_22 = arith.constant 0 : i32
    %dma_wait3A_23 = arith.constant 0 : i32
    %dma_wait3A_24 = tpu.memref_slice %arg2[%add3A_19, %dma_wait3A_22, %dma_wait3A_23] : memref<4096x2x4096xf32, #tpu.memory_space<hbm>> -> memref<4x2x4096xf32, #tpu.memory_space<hbm>>
    tpu.wait_dma2 semaphore(%arg7 : memref<!tpu.dma_semaphore, #tpu.memory_space<semaphore_mem>>) src(%dma_wait3A_24 : memref<4x2x4096xf32, #tpu.memory_space<hbm>>) dst(%arg4 : memref<4x2x4096xf32, #tpu.memory_space<vmem>>)
    %add3A_25 = arith.constant 0 : i32
    %add3A_26 = arith.addi %mul3A_2, %add3A_25 : i32
    %dma_start3A_27 = arith.constant 0 : i32
    %dma_start3A_28 = arith.constant 0 : i32
    %dma_start3A_29 = tpu.memref_slice %arg3[%add3A_26, %dma_start3A_27, %dma_start3A_28] : memref<4096x2x4096xf32, #tpu.memory_space<hbm>> -> memref<4x2x4096xf32, #tpu.memory_space<hbm>>
    %dma_start3A_30 = arith.constant 0 : i32
    %dma_start3A_31 = arith.constant 0 : i32
    %dma_start3A_32 = tpu.memref_slice %arg3[%add3A_26, %dma_start3A_30, %dma_start3A_31] : memref<4096x2x4096xf32, #tpu.memory_space<hbm>> -> memref<4x2x4096xf32, #tpu.memory_space<hbm>>
    tpu.enqueue_dma source(%arg4 : memref<4x2x4096xf32, #tpu.memory_space<vmem>>) target(%dma_start3A_32 : memref<4x2x4096xf32, #tpu.memory_space<hbm>>) target_semaphore(%arg10 : memref<!tpu.dma_semaphore, #tpu.memory_space<semaphore_mem>>)
    %add3A_33 = arith.constant 8 : i32
    %add3A_34 = arith.addi %mul3A_2, %add3A_33 : i32
    %dma_start3A_35 = arith.constant 0 : i32
    %dma_start3A_36 = arith.constant 0 : i32
    %dma_start3A_37 = tpu.memref_slice %arg2[%add3A_34, %dma_start3A_35, %dma_start3A_36] : memref<4096x2x4096xf32, #tpu.memory_space<hbm>> -> memref<4x2x4096xf32, #tpu.memory_space<hbm>>
    %dma_start3A_38 = arith.constant 0 : i32
    %dma_start3A_39 = arith.constant 0 : i32
    %dma_start3A_40 = tpu.memref_slice %arg2[%add3A_34, %dma_start3A_38, %dma_start3A_39] : memref<4096x2x4096xf32, #tpu.memory_space<hbm>> -> memref<4x2x4096xf32, #tpu.memory_space<hbm>>
    tpu.enqueue_dma source(%dma_start3A_40 : memref<4x2x4096xf32, #tpu.memory_space<hbm>>) target(%arg6 : memref<4x2x4096xf32, #tpu.memory_space<vmem>>) target_semaphore(%arg9 : memref<!tpu.dma_semaphore, #tpu.memory_space<semaphore_mem>>)
    %add3A_41 = arith.constant 4 : i32
    %add3A_42 = arith.addi %mul3A_2, %add3A_41 : i32
    %dma_wait3A_43 = arith.constant 0 : i32
    %dma_wait3A_44 = arith.constant 0 : i32
    %dma_wait3A_45 = tpu.memref_slice %arg2[%add3A_42, %dma_wait3A_43, %dma_wait3A_44] : memref<4096x2x4096xf32, #tpu.memory_space<hbm>> -> memref<4x2x4096xf32, #tpu.memory_space<hbm>>
    %dma_wait3A_46 = arith.constant 0 : i32
    %dma_wait3A_47 = arith.constant 0 : i32
    %dma_wait3A_48 = tpu.memref_slice %arg2[%add3A_42, %dma_wait3A_46, %dma_wait3A_47] : memref<4096x2x4096xf32, #tpu.memory_space<hbm>> -> memref<4x2x4096xf32, #tpu.memory_space<hbm>>
    tpu.wait_dma2 semaphore(%arg8 : memref<!tpu.dma_semaphore, #tpu.memory_space<semaphore_mem>>) src(%dma_wait3A_48 : memref<4x2x4096xf32, #tpu.memory_space<hbm>>) dst(%arg5 : memref<4x2x4096xf32, #tpu.memory_space<vmem>>)
    %add3A_49 = arith.constant 4 : i32
    %add3A_50 = arith.addi %mul3A_2, %add3A_49 : i32
    %dma_start3A_51 = arith.constant 0 : i32
    %dma_start3A_52 = arith.constant 0 : i32
    %dma_start3A_53 = tpu.memref_slice %arg3[%add3A_50, %dma_start3A_51, %dma_start3A_52] : memref<4096x2x4096xf32, #tpu.memory_space<hbm>> -> memref<4x2x4096xf32, #tpu.memory_space<hbm>>
    %dma_start3A_54 = arith.constant 0 : i32
    %dma_start3A_55 = arith.constant 0 : i32
    %dma_start3A_56 = tpu.memref_slice %arg3[%add3A_50, %dma_start3A_54, %dma_start3A_55] : memref<4096x2x4096xf32, #tpu.memory_space<hbm>> -> memref<4x2x4096xf32, #tpu.memory_space<hbm>>
    tpu.enqueue_dma source(%arg5 : memref<4x2x4096xf32, #tpu.memory_space<vmem>>) target(%dma_start3A_56 : memref<4x2x4096xf32, #tpu.memory_space<hbm>>) target_semaphore(%arg11 : memref<!tpu.dma_semaphore, #tpu.memory_space<semaphore_mem>>)
    %add3A_57 = arith.constant 0 : i32
    %add3A_58 = arith.addi %mul3A_2, %add3A_57 : i32
    %dma_wait3A_59 = arith.constant 0 : i32
    %dma_wait3A_60 = arith.constant 0 : i32
    %dma_wait3A_61 = tpu.memref_slice %arg3[%add3A_58, %dma_wait3A_59, %dma_wait3A_60] : memref<4096x2x4096xf32, #tpu.memory_space<hbm>> -> memref<4x2x4096xf32, #tpu.memory_space<hbm>>
    %dma_wait3A_62 = arith.constant 0 : i32
    %dma_wait3A_63 = arith.constant 0 : i32
    %dma_wait3A_64 = tpu.memref_slice %arg3[%add3A_58, %dma_wait3A_62, %dma_wait3A_63] : memref<4096x2x4096xf32, #tpu.memory_space<hbm>> -> memref<4x2x4096xf32, #tpu.memory_space<hbm>>
    tpu.wait_dma2 semaphore(%arg10 : memref<!tpu.dma_semaphore, #tpu.memory_space<semaphore_mem>>) src(%arg4 : memref<4x2x4096xf32, #tpu.memory_space<vmem>>) dst(%dma_wait3A_64 : memref<4x2x4096xf32, #tpu.memory_space<hbm>>)
    %add3A_65 = arith.constant 12 : i32
    %add3A_66 = arith.addi %mul3A_2, %add3A_65 : i32
    %dma_start3A_67 = arith.constant 0 : i32
    %dma_start3A_68 = arith.constant 0 : i32
    %dma_start3A_69 = tpu.memref_slice %arg2[%add3A_66, %dma_start3A_67, %dma_start3A_68] : memref<4096x2x4096xf32, #tpu.memory_space<hbm>> -> memref<4x2x4096xf32, #tpu.memory_space<hbm>>
    %dma_start3A_70 = arith.constant 0 : i32
    %dma_start3A_71 = arith.constant 0 : i32
    %dma_start3A_72 = tpu.memref_slice %arg2[%add3A_66, %dma_start3A_70, %dma_start3A_71] : memref<4096x2x4096xf32, #tpu.memory_space<hbm>> -> memref<4x2x4096xf32, #tpu.memory_space<hbm>>
    tpu.enqueue_dma source(%dma_start3A_72 : memref<4x2x4096xf32, #tpu.memory_space<hbm>>) target(%arg4 : memref<4x2x4096xf32, #tpu.memory_space<vmem>>) target_semaphore(%arg7 : memref<!tpu.dma_semaphore, #tpu.memory_space<semaphore_mem>>)
    %add3A_73 = arith.constant 8 : i32
    %add3A_74 = arith.addi %mul3A_2, %add3A_73 : i32
    %dma_wait3A_75 = arith.constant 0 : i32
    %dma_wait3A_76 = arith.constant 0 : i32
    %dma_wait3A_77 = tpu.memref_slice %arg2[%add3A_74, %dma_wait3A_75, %dma_wait3A_76] : memref<4096x2x4096xf32, #tpu.memory_space<hbm>> -> memref<4x2x4096xf32, #tpu.memory_space<hbm>>
    %dma_wait3A_78 = arith.constant 0 : i32
    %dma_wait3A_79 = arith.constant 0 : i32
    %dma_wait3A_80 = tpu.memref_slice %arg2[%add3A_74, %dma_wait3A_78, %dma_wait3A_79] : memref<4096x2x4096xf32, #tpu.memory_space<hbm>> -> memref<4x2x4096xf32, #tpu.memory_space<hbm>>
    tpu.wait_dma2 semaphore(%arg9 : memref<!tpu.dma_semaphore, #tpu.memory_space<semaphore_mem>>) src(%dma_wait3A_80 : memref<4x2x4096xf32, #tpu.memory_space<hbm>>) dst(%arg6 : memref<4x2x4096xf32, #tpu.memory_space<vmem>>)
    %add3A_81 = arith.constant 8 : i32
    %add3A_82 = arith.addi %mul3A_2, %add3A_81 : i32
    %dma_start3A_83 = arith.constant 0 : i32
    %dma_start3A_84 = arith.constant 0 : i32
    %dma_start3A_85 = tpu.memref_slice %arg3[%add3A_82, %dma_start3A_83, %dma_start3A_84] : memref<4096x2x4096xf32, #tpu.memory_space<hbm>> -> memref<4x2x4096xf32, #tpu.memory_space<hbm>>
    %dma_start3A_86 = arith.constant 0 : i32
    %dma_start3A_87 = arith.constant 0 : i32
    %dma_start3A_88 = tpu.memref_slice %arg3[%add3A_82, %dma_start3A_86, %dma_start3A_87] : memref<4096x2x4096xf32, #tpu.memory_space<hbm>> -> memref<4x2x4096xf32, #tpu.memory_space<hbm>>
    tpu.enqueue_dma source(%arg6 : memref<4x2x4096xf32, #tpu.memory_space<vmem>>) target(%dma_start3A_88 : memref<4x2x4096xf32, #tpu.memory_space<hbm>>) target_semaphore(%arg12 : memref<!tpu.dma_semaphore, #tpu.memory_space<semaphore_mem>>)
    %add3A_89 = arith.constant 4 : i32
    %add3A_90 = arith.addi %mul3A_2, %add3A_89 : i32
    %dma_wait3A_91 = arith.constant 0 : i32
    %dma_wait3A_92 = arith.constant 0 : i32
    %dma_wait3A_93 = tpu.memref_slice %arg3[%add3A_90, %dma_wait3A_91, %dma_wait3A_92] : memref<4096x2x4096xf32, #tpu.memory_space<hbm>> -> memref<4x2x4096xf32, #tpu.memory_space<hbm>>
    %dma_wait3A_94 = arith.constant 0 : i32
    %dma_wait3A_95 = arith.constant 0 : i32
    %dma_wait3A_96 = tpu.memref_slice %arg3[%add3A_90, %dma_wait3A_94, %dma_wait3A_95] : memref<4096x2x4096xf32, #tpu.memory_space<hbm>> -> memref<4x2x4096xf32, #tpu.memory_space<hbm>>
    tpu.wait_dma2 semaphore(%arg11 : memref<!tpu.dma_semaphore, #tpu.memory_space<semaphore_mem>>) src(%arg5 : memref<4x2x4096xf32, #tpu.memory_space<vmem>>) dst(%dma_wait3A_96 : memref<4x2x4096xf32, #tpu.memory_space<hbm>>)
    %add3A_97 = arith.constant 16 : i32
    %add3A_98 = arith.addi %mul3A_2, %add3A_97 : i32
    %dma_start3A_99 = arith.constant 0 : i32
    %dma_start3A_100 = arith.constant 0 : i32
    %dma_start3A_101 = tpu.memref_slice %arg2[%add3A_98, %dma_start3A_99, %dma_start3A_100] : memref<4096x2x4096xf32, #tpu.memory_space<hbm>> -> memref<4x2x4096xf32, #tpu.memory_space<hbm>>
    %dma_start3A_102 = arith.constant 0 : i32
    %dma_start3A_103 = arith.constant 0 : i32
    %dma_start3A_104 = tpu.memref_slice %arg2[%add3A_98, %dma_start3A_102, %dma_start3A_103] : memref<4096x2x4096xf32, #tpu.memory_space<hbm>> -> memref<4x2x4096xf32, #tpu.memory_space<hbm>>
    tpu.enqueue_dma source(%dma_start3A_104 : memref<4x2x4096xf32, #tpu.memory_space<hbm>>) target(%arg5 : memref<4x2x4096xf32, #tpu.memory_space<vmem>>) target_semaphore(%arg8 : memref<!tpu.dma_semaphore, #tpu.memory_space<semaphore_mem>>)
    %add3A_105 = arith.constant 12 : i32
    %add3A_106 = arith.addi %mul3A_2, %add3A_105 : i32
    %dma_wait3A_107 = arith.constant 0 : i32
    %dma_wait3A_108 = arith.constant 0 : i32
    %dma_wait3A_109 = tpu.memref_slice %arg2[%add3A_106, %dma_wait3A_107, %dma_wait3A_108] : memref<4096x2x4096xf32, #tpu.memory_space<hbm>> -> memref<4x2x4096xf32, #tpu.memory_space<hbm>>
    %dma_wait3A_110 = arith.constant 0 : i32
    %dma_wait3A_111 = arith.constant 0 : i32
    %dma_wait3A_112 = tpu.memref_slice %arg2[%add3A_106, %dma_wait3A_110, %dma_wait3A_111] : memref<4096x2x4096xf32, #tpu.memory_space<hbm>> -> memref<4x2x4096xf32, #tpu.memory_space<hbm>>
    tpu.wait_dma2 semaphore(%arg7 : memref<!tpu.dma_semaphore, #tpu.memory_space<semaphore_mem>>) src(%dma_wait3A_112 : memref<4x2x4096xf32, #tpu.memory_space<hbm>>) dst(%arg4 : memref<4x2x4096xf32, #tpu.memory_space<vmem>>)
    %add3A_113 = arith.constant 12 : i32
    %add3A_114 = arith.addi %mul3A_2, %add3A_113 : i32
    %dma_start3A_115 = arith.constant 0 : i32
    %dma_start3A_116 = arith.constant 0 : i32
    %dma_start3A_117 = tpu.memref_slice %arg3[%add3A_114, %dma_start3A_115, %dma_start3A_116] : memref<4096x2x4096xf32, #tpu.memory_space<hbm>> -> memref<4x2x4096xf32, #tpu.memory_space<hbm>>
    %dma_start3A_118 = arith.constant 0 : i32
    %dma_start3A_119 = arith.constant 0 : i32
    %dma_start3A_120 = tpu.memref_slice %arg3[%add3A_114, %dma_start3A_118, %dma_start3A_119] : memref<4096x2x4096xf32, #tpu.memory_space<hbm>> -> memref<4x2x4096xf32, #tpu.memory_space<hbm>>
    tpu.enqueue_dma source(%arg4 : memref<4x2x4096xf32, #tpu.memory_space<vmem>>) target(%dma_start3A_120 : memref<4x2x4096xf32, #tpu.memory_space<hbm>>) target_semaphore(%arg10 : memref<!tpu.dma_semaphore, #tpu.memory_space<semaphore_mem>>)
    %add3A_121 = arith.constant 8 : i32
    %add3A_122 = arith.addi %mul3A_2, %add3A_121 : i32
    %dma_wait3A_123 = arith.constant 0 : i32
    %dma_wait3A_124 = arith.constant 0 : i32
    %dma_wait3A_125 = tpu.memref_slice %arg3[%add3A_122, %dma_wait3A_123, %dma_wait3A_124] : memref<4096x2x4096xf32, #tpu.memory_space<hbm>> -> memref<4x2x4096xf32, #tpu.memory_space<hbm>>
    %dma_wait3A_126 = arith.constant 0 : i32
    %dma_wait3A_127 = arith.constant 0 : i32
    %dma_wait3A_128 = tpu.memref_slice %arg3[%add3A_122, %dma_wait3A_126, %dma_wait3A_127] : memref<4096x2x4096xf32, #tpu.memory_space<hbm>> -> memref<4x2x4096xf32, #tpu.memory_space<hbm>>
    tpu.wait_dma2 semaphore(%arg12 : memref<!tpu.dma_semaphore, #tpu.memory_space<semaphore_mem>>) src(%arg6 : memref<4x2x4096xf32, #tpu.memory_space<vmem>>) dst(%dma_wait3A_128 : memref<4x2x4096xf32, #tpu.memory_space<hbm>>)
    %add3A_129 = arith.constant 20 : i32
    %add3A_130 = arith.addi %mul3A_2, %add3A_129 : i32
    %dma_start3A_131 = arith.constant 0 : i32
    %dma_start3A_132 = arith.constant 0 : i32
    %dma_start3A_133 = tpu.memref_slice %arg2[%add3A_130, %dma_start3A_131, %dma_start3A_132] : memref<4096x2x4096xf32, #tpu.memory_space<hbm>> -> memref<4x2x4096xf32, #tpu.memory_space<hbm>>
    %dma_start3A_134 = arith.constant 0 : i32
    %dma_start3A_135 = arith.constant 0 : i32
    %dma_start3A_136 = tpu.memref_slice %arg2[%add3A_130, %dma_start3A_134, %dma_start3A_135] : memref<4096x2x4096xf32, #tpu.memory_space<hbm>> -> memref<4x2x4096xf32, #tpu.memory_space<hbm>>
    tpu.enqueue_dma source(%dma_start3A_136 : memref<4x2x4096xf32, #tpu.memory_space<hbm>>) target(%arg6 : memref<4x2x4096xf32, #tpu.memory_space<vmem>>) target_semaphore(%arg9 : memref<!tpu.dma_semaphore, #tpu.memory_space<semaphore_mem>>)
    %add3A_137 = arith.constant 16 : i32
    %add3A_138 = arith.addi %mul3A_2, %add3A_137 : i32
    %dma_wait3A_139 = arith.constant 0 : i32
    %dma_wait3A_140 = arith.constant 0 : i32
    %dma_wait3A_141 = tpu.memref_slice %arg2[%add3A_138, %dma_wait3A_139, %dma_wait3A_140] : memref<4096x2x4096xf32, #tpu.memory_space<hbm>> -> memref<4x2x4096xf32, #tpu.memory_space<hbm>>
    %dma_wait3A_142 = arith.constant 0 : i32
    %dma_wait3A_143 = arith.constant 0 : i32
    %dma_wait3A_144 = tpu.memref_slice %arg2[%add3A_138, %dma_wait3A_142, %dma_wait3A_143] : memref<4096x2x4096xf32, #tpu.memory_space<hbm>> -> memref<4x2x4096xf32, #tpu.memory_space<hbm>>
    tpu.wait_dma2 semaphore(%arg8 : memref<!tpu.dma_semaphore, #tpu.memory_space<semaphore_mem>>) src(%dma_wait3A_144 : memref<4x2x4096xf32, #tpu.memory_space<hbm>>) dst(%arg5 : memref<4x2x4096xf32, #tpu.memory_space<vmem>>)
    %add3A_145 = arith.constant 16 : i32
    %add3A_146 = arith.addi %mul3A_2, %add3A_145 : i32
    %dma_start3A_147 = arith.constant 0 : i32
    %dma_start3A_148 = arith.constant 0 : i32
    %dma_start3A_149 = tpu.memref_slice %arg3[%add3A_146, %dma_start3A_147, %dma_start3A_148] : memref<4096x2x4096xf32, #tpu.memory_space<hbm>> -> memref<4x2x4096xf32, #tpu.memory_space<hbm>>
    %dma_start3A_150 = arith.constant 0 : i32
    %dma_start3A_151 = arith.constant 0 : i32
    %dma_start3A_152 = tpu.memref_slice %arg3[%add3A_146, %dma_start3A_150, %dma_start3A_151] : memref<4096x2x4096xf32, #tpu.memory_space<hbm>> -> memref<4x2x4096xf32, #tpu.memory_space<hbm>>
    tpu.enqueue_dma source(%arg5 : memref<4x2x4096xf32, #tpu.memory_space<vmem>>) target(%dma_start3A_152 : memref<4x2x4096xf32, #tpu.memory_space<hbm>>) target_semaphore(%arg11 : memref<!tpu.dma_semaphore, #tpu.memory_space<semaphore_mem>>)
    %add3A_153 = arith.constant 12 : i32
    %add3A_154 = arith.addi %mul3A_2, %add3A_153 : i32
    %dma_wait3A_155 = arith.constant 0 : i32
    %dma_wait3A_156 = arith.constant 0 : i32
    %dma_wait3A_157 = tpu.memref_slice %arg3[%add3A_154, %dma_wait3A_155, %dma_wait3A_156] : memref<4096x2x4096xf32, #tpu.memory_space<hbm>> -> memref<4x2x4096xf32, #tpu.memory_space<hbm>>
    %dma_wait3A_158 = arith.constant 0 : i32
    %dma_wait3A_159 = arith.constant 0 : i32
    %dma_wait3A_160 = tpu.memref_slice %arg3[%add3A_154, %dma_wait3A_158, %dma_wait3A_159] : memref<4096x2x4096xf32, #tpu.memory_space<hbm>> -> memref<4x2x4096xf32, #tpu.memory_space<hbm>>
    tpu.wait_dma2 semaphore(%arg10 : memref<!tpu.dma_semaphore, #tpu.memory_space<semaphore_mem>>) src(%arg4 : memref<4x2x4096xf32, #tpu.memory_space<vmem>>) dst(%dma_wait3A_160 : memref<4x2x4096xf32, #tpu.memory_space<hbm>>)
    %add3A_161 = arith.constant 24 : i32
    %add3A_162 = arith.addi %mul3A_2, %add3A_161 : i32
    %dma_start3A_163 = arith.constant 0 : i32
    %dma_start3A_164 = arith.constant 0 : i32
    %dma_start3A_165 = tpu.memref_slice %arg2[%add3A_162, %dma_start3A_163, %dma_start3A_164] : memref<4096x2x4096xf32, #tpu.memory_space<hbm>> -> memref<4x2x4096xf32, #tpu.memory_space<hbm>>
    %dma_start3A_166 = arith.constant 0 : i32
    %dma_start3A_167 = arith.constant 0 : i32
    %dma_start3A_168 = tpu.memref_slice %arg2[%add3A_162, %dma_start3A_166, %dma_start3A_167] : memref<4096x2x4096xf32, #tpu.memory_space<hbm>> -> memref<4x2x4096xf32, #tpu.memory_space<hbm>>
    tpu.enqueue_dma source(%dma_start3A_168 : memref<4x2x4096xf32, #tpu.memory_space<hbm>>) target(%arg4 : memref<4x2x4096xf32, #tpu.memory_space<vmem>>) target_semaphore(%arg7 : memref<!tpu.dma_semaphore, #tpu.memory_space<semaphore_mem>>)
    %add3A_169 = arith.constant 20 : i32
    %add3A_170 = arith.addi %mul3A_2, %add3A_169 : i32
    %dma_wait3A_171 = arith.constant 0 : i32
    %dma_wait3A_172 = arith.constant 0 : i32
    %dma_wait3A_173 = tpu.memref_slice %arg2[%add3A_170, %dma_wait3A_171, %dma_wait3A_172] : memref<4096x2x4096xf32, #tpu.memory_space<hbm>> -> memref<4x2x4096xf32, #tpu.memory_space<hbm>>
    %dma_wait3A_174 = arith.constant 0 : i32
    %dma_wait3A_175 = arith.constant 0 : i32
    %dma_wait3A_176 = tpu.memref_slice %arg2[%add3A_170, %dma_wait3A_174, %dma_wait3A_175] : memref<4096x2x4096xf32, #tpu.memory_space<hbm>> -> memref<4x2x4096xf32, #tpu.memory_space<hbm>>
    tpu.wait_dma2 semaphore(%arg9 : memref<!tpu.dma_semaphore, #tpu.memory_space<semaphore_mem>>) src(%dma_wait3A_176 : memref<4x2x4096xf32, #tpu.memory_space<hbm>>) dst(%arg6 : memref<4x2x4096xf32, #tpu.memory_space<vmem>>)
    %add3A_177 = arith.constant 20 : i32
    %add3A_178 = arith.addi %mul3A_2, %add3A_177 : i32
    %dma_start3A_179 = arith.constant 0 : i32
    %dma_start3A_180 = arith.constant 0 : i32
    %dma_start3A_181 = tpu.memref_slice %arg3[%add3A_178, %dma_start3A_179, %dma_start3A_180] : memref<4096x2x4096xf32, #tpu.memory_space<hbm>> -> memref<4x2x4096xf32, #tpu.memory_space<hbm>>
    %dma_start3A_182 = arith.constant 0 : i32
    %dma_start3A_183 = arith.constant 0 : i32
    %dma_start3A_184 = tpu.memref_slice %arg3[%add3A_178, %dma_start3A_182, %dma_start3A_183] : memref<4096x2x4096xf32, #tpu.memory_space<hbm>> -> memref<4x2x4096xf32, #tpu.memory_space<hbm>>
    tpu.enqueue_dma source(%arg6 : memref<4x2x4096xf32, #tpu.memory_space<vmem>>) target(%dma_start3A_184 : memref<4x2x4096xf32, #tpu.memory_space<hbm>>) target_semaphore(%arg12 : memref<!tpu.dma_semaphore, #tpu.memory_space<semaphore_mem>>)
    %add3A_185 = arith.constant 16 : i32
    %add3A_186 = arith.addi %mul3A_2, %add3A_185 : i32
    %dma_wait3A_187 = arith.constant 0 : i32
    %dma_wait3A_188 = arith.constant 0 : i32
    %dma_wait3A_189 = tpu.memref_slice %arg3[%add3A_186, %dma_wait3A_187, %dma_wait3A_188] : memref<4096x2x4096xf32, #tpu.memory_space<hbm>> -> memref<4x2x4096xf32, #tpu.memory_space<hbm>>
    %dma_wait3A_190 = arith.constant 0 : i32
    %dma_wait3A_191 = arith.constant 0 : i32
    %dma_wait3A_192 = tpu.memref_slice %arg3[%add3A_186, %dma_wait3A_190, %dma_wait3A_191] : memref<4096x2x4096xf32, #tpu.memory_space<hbm>> -> memref<4x2x4096xf32, #tpu.memory_space<hbm>>
    tpu.wait_dma2 semaphore(%arg11 : memref<!tpu.dma_semaphore, #tpu.memory_space<semaphore_mem>>) src(%arg5 : memref<4x2x4096xf32, #tpu.memory_space<vmem>>) dst(%dma_wait3A_192 : memref<4x2x4096xf32, #tpu.memory_space<hbm>>)
    %add3A_193 = arith.constant 28 : i32
    %add3A_194 = arith.addi %mul3A_2, %add3A_193 : i32
    %dma_start3A_195 = arith.constant 0 : i32
    %dma_start3A_196 = arith.constant 0 : i32
    %dma_start3A_197 = tpu.memref_slice %arg2[%add3A_194, %dma_start3A_195, %dma_start3A_196] : memref<4096x2x4096xf32, #tpu.memory_space<hbm>> -> memref<4x2x4096xf32, #tpu.memory_space<hbm>>
    %dma_start3A_198 = arith.constant 0 : i32
    %dma_start3A_199 = arith.constant 0 : i32
    %dma_start3A_200 = tpu.memref_slice %arg2[%add3A_194, %dma_start3A_198, %dma_start3A_199] : memref<4096x2x4096xf32, #tpu.memory_space<hbm>> -> memref<4x2x4096xf32, #tpu.memory_space<hbm>>
    tpu.enqueue_dma source(%dma_start3A_200 : memref<4x2x4096xf32, #tpu.memory_space<hbm>>) target(%arg5 : memref<4x2x4096xf32, #tpu.memory_space<vmem>>) target_semaphore(%arg8 : memref<!tpu.dma_semaphore, #tpu.memory_space<semaphore_mem>>)
    %add3A_201 = arith.constant 24 : i32
    %add3A_202 = arith.addi %mul3A_2, %add3A_201 : i32
    %dma_wait3A_203 = arith.constant 0 : i32
    %dma_wait3A_204 = arith.constant 0 : i32
    %dma_wait3A_205 = tpu.memref_slice %arg2[%add3A_202, %dma_wait3A_203, %dma_wait3A_204] : memref<4096x2x4096xf32, #tpu.memory_space<hbm>> -> memref<4x2x4096xf32, #tpu.memory_space<hbm>>
    %dma_wait3A_206 = arith.constant 0 : i32
    %dma_wait3A_207 = arith.constant 0 : i32
    %dma_wait3A_208 = tpu.memref_slice %arg2[%add3A_202, %dma_wait3A_206, %dma_wait3A_207] : memref<4096x2x4096xf32, #tpu.memory_space<hbm>> -> memref<4x2x4096xf32, #tpu.memory_space<hbm>>
    tpu.wait_dma2 semaphore(%arg7 : memref<!tpu.dma_semaphore, #tpu.memory_space<semaphore_mem>>) src(%dma_wait3A_208 : memref<4x2x4096xf32, #tpu.memory_space<hbm>>) dst(%arg4 : memref<4x2x4096xf32, #tpu.memory_space<vmem>>)
    %add3A_209 = arith.constant 24 : i32
    %add3A_210 = arith.addi %mul3A_2, %add3A_209 : i32
    %dma_start3A_211 = arith.constant 0 : i32
    %dma_start3A_212 = arith.constant 0 : i32
    %dma_start3A_213 = tpu.memref_slice %arg3[%add3A_210, %dma_start3A_211, %dma_start3A_212] : memref<4096x2x4096xf32, #tpu.memory_space<hbm>> -> memref<4x2x4096xf32, #tpu.memory_space<hbm>>
    %dma_start3A_214 = arith.constant 0 : i32
    %dma_start3A_215 = arith.constant 0 : i32
    %dma_start3A_216 = tpu.memref_slice %arg3[%add3A_210, %dma_start3A_214, %dma_start3A_215] : memref<4096x2x4096xf32, #tpu.memory_space<hbm>> -> memref<4x2x4096xf32, #tpu.memory_space<hbm>>
    tpu.enqueue_dma source(%arg4 : memref<4x2x4096xf32, #tpu.memory_space<vmem>>) target(%dma_start3A_216 : memref<4x2x4096xf32, #tpu.memory_space<hbm>>) target_semaphore(%arg10 : memref<!tpu.dma_semaphore, #tpu.memory_space<semaphore_mem>>)
    %add3A_217 = arith.constant 20 : i32
    %add3A_218 = arith.addi %mul3A_2, %add3A_217 : i32
    %dma_wait3A_219 = arith.constant 0 : i32
    %dma_wait3A_220 = arith.constant 0 : i32
    %dma_wait3A_221 = tpu.memref_slice %arg3[%add3A_218, %dma_wait3A_219, %dma_wait3A_220] : memref<4096x2x4096xf32, #tpu.memory_space<hbm>> -> memref<4x2x4096xf32, #tpu.memory_space<hbm>>
    %dma_wait3A_222 = arith.constant 0 : i32
    %dma_wait3A_223 = arith.constant 0 : i32
    %dma_wait3A_224 = tpu.memref_slice %arg3[%add3A_218, %dma_wait3A_222, %dma_wait3A_223] : memref<4096x2x4096xf32, #tpu.memory_space<hbm>> -> memref<4x2x4096xf32, #tpu.memory_space<hbm>>
    tpu.wait_dma2 semaphore(%arg12 : memref<!tpu.dma_semaphore, #tpu.memory_space<semaphore_mem>>) src(%arg6 : memref<4x2x4096xf32, #tpu.memory_space<vmem>>) dst(%dma_wait3A_224 : memref<4x2x4096xf32, #tpu.memory_space<hbm>>)
    %add3A_225 = arith.constant 32 : i32
    %add3A_226 = arith.addi %mul3A_2, %add3A_225 : i32
    %dma_start3A_227 = arith.constant 0 : i32
    %dma_start3A_228 = arith.constant 0 : i32
    %dma_start3A_229 = tpu.memref_slice %arg2[%add3A_226, %dma_start3A_227, %dma_start3A_228] : memref<4096x2x4096xf32, #tpu.memory_space<hbm>> -> memref<4x2x4096xf32, #tpu.memory_space<hbm>>
    %dma_start3A_230 = arith.constant 0 : i32
    %dma_start3A_231 = arith.constant 0 : i32
    %dma_start3A_232 = tpu.memref_slice %arg2[%add3A_226, %dma_start3A_230, %dma_start3A_231] : memref<4096x2x4096xf32, #tpu.memory_space<hbm>> -> memref<4x2x4096xf32, #tpu.memory_space<hbm>>
    tpu.enqueue_dma source(%dma_start3A_232 : memref<4x2x4096xf32, #tpu.memory_space<hbm>>) target(%arg6 : memref<4x2x4096xf32, #tpu.memory_space<vmem>>) target_semaphore(%arg9 : memref<!tpu.dma_semaphore, #tpu.memory_space<semaphore_mem>>)
    %add3A_233 = arith.constant 28 : i32
    %add3A_234 = arith.addi %mul3A_2, %add3A_233 : i32
    %dma_wait3A_235 = arith.constant 0 : i32
    %dma_wait3A_236 = arith.constant 0 : i32
    %dma_wait3A_237 = tpu.memref_slice %arg2[%add3A_234, %dma_wait3A_235, %dma_wait3A_236] : memref<4096x2x4096xf32, #tpu.memory_space<hbm>> -> memref<4x2x4096xf32, #tpu.memory_space<hbm>>
    %dma_wait3A_238 = arith.constant 0 : i32
    %dma_wait3A_239 = arith.constant 0 : i32
    %dma_wait3A_240 = tpu.memref_slice %arg2[%add3A_234, %dma_wait3A_238, %dma_wait3A_239] : memref<4096x2x4096xf32, #tpu.memory_space<hbm>> -> memref<4x2x4096xf32, #tpu.memory_space<hbm>>
    tpu.wait_dma2 semaphore(%arg8 : memref<!tpu.dma_semaphore, #tpu.memory_space<semaphore_mem>>) src(%dma_wait3A_240 : memref<4x2x4096xf32, #tpu.memory_space<hbm>>) dst(%arg5 : memref<4x2x4096xf32, #tpu.memory_space<vmem>>)
    %add3A_241 = arith.constant 28 : i32
    %add3A_242 = arith.addi %mul3A_2, %add3A_241 : i32
    %dma_start3A_243 = arith.constant 0 : i32
    %dma_start3A_244 = arith.constant 0 : i32
    %dma_start3A_245 = tpu.memref_slice %arg3[%add3A_242, %dma_start3A_243, %dma_start3A_244] : memref<4096x2x4096xf32, #tpu.memory_space<hbm>> -> memref<4x2x4096xf32, #tpu.memory_space<hbm>>
    %dma_start3A_246 = arith.constant 0 : i32
    %dma_start3A_247 = arith.constant 0 : i32
    %dma_start3A_248 = tpu.memref_slice %arg3[%add3A_242, %dma_start3A_246, %dma_start3A_247] : memref<4096x2x4096xf32, #tpu.memory_space<hbm>> -> memref<4x2x4096xf32, #tpu.memory_space<hbm>>
    tpu.enqueue_dma source(%arg5 : memref<4x2x4096xf32, #tpu.memory_space<vmem>>) target(%dma_start3A_248 : memref<4x2x4096xf32, #tpu.memory_space<hbm>>) target_semaphore(%arg11 : memref<!tpu.dma_semaphore, #tpu.memory_space<semaphore_mem>>)
    %add3A_249 = arith.constant 24 : i32
    %add3A_250 = arith.addi %mul3A_2, %add3A_249 : i32
    %dma_wait3A_251 = arith.constant 0 : i32
    %dma_wait3A_252 = arith.constant 0 : i32
    %dma_wait3A_253 = tpu.memref_slice %arg3[%add3A_250, %dma_wait3A_251, %dma_wait3A_252] : memref<4096x2x4096xf32, #tpu.memory_space<hbm>> -> memref<4x2x4096xf32, #tpu.memory_space<hbm>>
    %dma_wait3A_254 = arith.constant 0 : i32
    %dma_wait3A_255 = arith.constant 0 : i32
    %dma_wait3A_256 = tpu.memref_slice %arg3[%add3A_250, %dma_wait3A_254, %dma_wait3A_255] : memref<4096x2x4096xf32, #tpu.memory_space<hbm>> -> memref<4x2x4096xf32, #tpu.memory_space<hbm>>
    tpu.wait_dma2 semaphore(%arg10 : memref<!tpu.dma_semaphore, #tpu.memory_space<semaphore_mem>>) src(%arg4 : memref<4x2x4096xf32, #tpu.memory_space<vmem>>) dst(%dma_wait3A_256 : memref<4x2x4096xf32, #tpu.memory_space<hbm>>)
    %add3A_257 = arith.constant 36 : i32
    %add3A_258 = arith.addi %mul3A_2, %add3A_257 : i32
    %dma_start3A_259 = arith.constant 0 : i32
    %dma_start3A_260 = arith.constant 0 : i32
    %dma_start3A_261 = tpu.memref_slice %arg2[%add3A_258, %dma_start3A_259, %dma_start3A_260] : memref<4096x2x4096xf32, #tpu.memory_space<hbm>> -> memref<4x2x4096xf32, #tpu.memory_space<hbm>>
    %dma_start3A_262 = arith.constant 0 : i32
    %dma_start3A_263 = arith.constant 0 : i32
    %dma_start3A_264 = tpu.memref_slice %arg2[%add3A_258, %dma_start3A_262, %dma_start3A_263] : memref<4096x2x4096xf32, #tpu.memory_space<hbm>> -> memref<4x2x4096xf32, #tpu.memory_space<hbm>>
    tpu.enqueue_dma source(%dma_start3A_264 : memref<4x2x4096xf32, #tpu.memory_space<hbm>>) target(%arg4 : memref<4x2x4096xf32, #tpu.memory_space<vmem>>) target_semaphore(%arg7 : memref<!tpu.dma_semaphore, #tpu.memory_space<semaphore_mem>>)
    %add3A_265 = arith.constant 32 : i32
    %add3A_266 = arith.addi %mul3A_2, %add3A_265 : i32
    %dma_wait3A_267 = arith.constant 0 : i32
    %dma_wait3A_268 = arith.constant 0 : i32
    %dma_wait3A_269 = tpu.memref_slice %arg2[%add3A_266, %dma_wait3A_267, %dma_wait3A_268] : memref<4096x2x4096xf32, #tpu.memory_space<hbm>> -> memref<4x2x4096xf32, #tpu.memory_space<hbm>>
    %dma_wait3A_270 = arith.constant 0 : i32
    %dma_wait3A_271 = arith.constant 0 : i32
    %dma_wait3A_272 = tpu.memref_slice %arg2[%add3A_266, %dma_wait3A_270, %dma_wait3A_271] : memref<4096x2x4096xf32, #tpu.memory_space<hbm>> -> memref<4x2x4096xf32, #tpu.memory_space<hbm>>
    tpu.wait_dma2 semaphore(%arg9 : memref<!tpu.dma_semaphore, #tpu.memory_space<semaphore_mem>>) src(%dma_wait3A_272 : memref<4x2x4096xf32, #tpu.memory_space<hbm>>) dst(%arg6 : memref<4x2x4096xf32, #tpu.memory_space<vmem>>)
    %add3A_273 = arith.constant 32 : i32
    %add3A_274 = arith.addi %mul3A_2, %add3A_273 : i32
    %dma_start3A_275 = arith.constant 0 : i32
    %dma_start3A_276 = arith.constant 0 : i32
    %dma_start3A_277 = tpu.memref_slice %arg3[%add3A_274, %dma_start3A_275, %dma_start3A_276] : memref<4096x2x4096xf32, #tpu.memory_space<hbm>> -> memref<4x2x4096xf32, #tpu.memory_space<hbm>>
    %dma_start3A_278 = arith.constant 0 : i32
    %dma_start3A_279 = arith.constant 0 : i32
    %dma_start3A_280 = tpu.memref_slice %arg3[%add3A_274, %dma_start3A_278, %dma_start3A_279] : memref<4096x2x4096xf32, #tpu.memory_space<hbm>> -> memref<4x2x4096xf32, #tpu.memory_space<hbm>>
    tpu.enqueue_dma source(%arg6 : memref<4x2x4096xf32, #tpu.memory_space<vmem>>) target(%dma_start3A_280 : memref<4x2x4096xf32, #tpu.memory_space<hbm>>) target_semaphore(%arg12 : memref<!tpu.dma_semaphore, #tpu.memory_space<semaphore_mem>>)
    %add3A_281 = arith.constant 28 : i32
    %add3A_282 = arith.addi %mul3A_2, %add3A_281 : i32
    %dma_wait3A_283 = arith.constant 0 : i32
    %dma_wait3A_284 = arith.constant 0 : i32
    %dma_wait3A_285 = tpu.memref_slice %arg3[%add3A_282, %dma_wait3A_283, %dma_wait3A_284] : memref<4096x2x4096xf32, #tpu.memory_space<hbm>> -> memref<4x2x4096xf32, #tpu.memory_space<hbm>>
    %dma_wait3A_286 = arith.constant 0 : i32
    %dma_wait3A_287 = arith.constant 0 : i32
    %dma_wait3A_288 = tpu.memref_slice %arg3[%add3A_282, %dma_wait3A_286, %dma_wait3A_287] : memref<4096x2x4096xf32, #tpu.memory_space<hbm>> -> memref<4x2x4096xf32, #tpu.memory_space<hbm>>
    tpu.wait_dma2 semaphore(%arg11 : memref<!tpu.dma_semaphore, #tpu.memory_space<semaphore_mem>>) src(%arg5 : memref<4x2x4096xf32, #tpu.memory_space<vmem>>) dst(%dma_wait3A_288 : memref<4x2x4096xf32, #tpu.memory_space<hbm>>)
    %add3A_289 = arith.constant 40 : i32
    %add3A_290 = arith.addi %mul3A_2, %add3A_289 : i32
    %dma_start3A_291 = arith.constant 0 : i32
    %dma_start3A_292 = arith.constant 0 : i32
    %dma_start3A_293 = tpu.memref_slice %arg2[%add3A_290, %dma_start3A_291, %dma_start3A_292] : memref<4096x2x4096xf32, #tpu.memory_space<hbm>> -> memref<4x2x4096xf32, #tpu.memory_space<hbm>>
    %dma_start3A_294 = arith.constant 0 : i32
    %dma_start3A_295 = arith.constant 0 : i32
    %dma_start3A_296 = tpu.memref_slice %arg2[%add3A_290, %dma_start3A_294, %dma_start3A_295] : memref<4096x2x4096xf32, #tpu.memory_space<hbm>> -> memref<4x2x4096xf32, #tpu.memory_space<hbm>>
    tpu.enqueue_dma source(%dma_start3A_296 : memref<4x2x4096xf32, #tpu.memory_space<hbm>>) target(%arg5 : memref<4x2x4096xf32, #tpu.memory_space<vmem>>) target_semaphore(%arg8 : memref<!tpu.dma_semaphore, #tpu.memory_space<semaphore_mem>>)
    %add3A_297 = arith.constant 36 : i32
    %add3A_298 = arith.addi %mul3A_2, %add3A_297 : i32
    %dma_wait3A_299 = arith.constant 0 : i32
    %dma_wait3A_300 = arith.constant 0 : i32
    %dma_wait3A_301 = tpu.memref_slice %arg2[%add3A_298, %dma_wait3A_299, %dma_wait3A_300] : memref<4096x2x4096xf32, #tpu.memory_space<hbm>> -> memref<4x2x4096xf32, #tpu.memory_space<hbm>>
    %dma_wait3A_302 = arith.constant 0 : i32
    %dma_wait3A_303 = arith.constant 0 : i32
    %dma_wait3A_304 = tpu.memref_slice %arg2[%add3A_298, %dma_wait3A_302, %dma_wait3A_303] : memref<4096x2x4096xf32, #tpu.memory_space<hbm>> -> memref<4x2x4096xf32, #tpu.memory_space<hbm>>
    tpu.wait_dma2 semaphore(%arg7 : memref<!tpu.dma_semaphore, #tpu.memory_space<semaphore_mem>>) src(%dma_wait3A_304 : memref<4x2x4096xf32, #tpu.memory_space<hbm>>) dst(%arg4 : memref<4x2x4096xf32, #tpu.memory_space<vmem>>)
    %add3A_305 = arith.constant 36 : i32
    %add3A_306 = arith.addi %mul3A_2, %add3A_305 : i32
    %dma_start3A_307 = arith.constant 0 : i32
    %dma_start3A_308 = arith.constant 0 : i32
    %dma_start3A_309 = tpu.memref_slice %arg3[%add3A_306, %dma_start3A_307, %dma_start3A_308] : memref<4096x2x4096xf32, #tpu.memory_space<hbm>> -> memref<4x2x4096xf32, #tpu.memory_space<hbm>>
    %dma_start3A_310 = arith.constant 0 : i32
    %dma_start3A_311 = arith.constant 0 : i32
    %dma_start3A_312 = tpu.memref_slice %arg3[%add3A_306, %dma_start3A_310, %dma_start3A_311] : memref<4096x2x4096xf32, #tpu.memory_space<hbm>> -> memref<4x2x4096xf32, #tpu.memory_space<hbm>>
    tpu.enqueue_dma source(%arg4 : memref<4x2x4096xf32, #tpu.memory_space<vmem>>) target(%dma_start3A_312 : memref<4x2x4096xf32, #tpu.memory_space<hbm>>) target_semaphore(%arg10 : memref<!tpu.dma_semaphore, #tpu.memory_space<semaphore_mem>>)
    %add3A_313 = arith.constant 32 : i32
    %add3A_314 = arith.addi %mul3A_2, %add3A_313 : i32
    %dma_wait3A_315 = arith.constant 0 : i32
    %dma_wait3A_316 = arith.constant 0 : i32
    %dma_wait3A_317 = tpu.memref_slice %arg3[%add3A_314, %dma_wait3A_315, %dma_wait3A_316] : memref<4096x2x4096xf32, #tpu.memory_space<hbm>> -> memref<4x2x4096xf32, #tpu.memory_space<hbm>>
    %dma_wait3A_318 = arith.constant 0 : i32
    %dma_wait3A_319 = arith.constant 0 : i32
    %dma_wait3A_320 = tpu.memref_slice %arg3[%add3A_314, %dma_wait3A_318, %dma_wait3A_319] : memref<4096x2x4096xf32, #tpu.memory_space<hbm>> -> memref<4x2x4096xf32, #tpu.memory_space<hbm>>
    tpu.wait_dma2 semaphore(%arg12 : memref<!tpu.dma_semaphore, #tpu.memory_space<semaphore_mem>>) src(%arg6 : memref<4x2x4096xf32, #tpu.memory_space<vmem>>) dst(%dma_wait3A_320 : memref<4x2x4096xf32, #tpu.memory_space<hbm>>)
    %add3A_321 = arith.constant 44 : i32
    %add3A_322 = arith.addi %mul3A_2, %add3A_321 : i32
    %dma_start3A_323 = arith.constant 0 : i32
    %dma_start3A_324 = arith.constant 0 : i32
    %dma_start3A_325 = tpu.memref_slice %arg2[%add3A_322, %dma_start3A_323, %dma_start3A_324] : memref<4096x2x4096xf32, #tpu.memory_space<hbm>> -> memref<4x2x4096xf32, #tpu.memory_space<hbm>>
    %dma_start3A_326 = arith.constant 0 : i32
    %dma_start3A_327 = arith.constant 0 : i32
    %dma_start3A_328 = tpu.memref_slice %arg2[%add3A_322, %dma_start3A_326, %dma_start3A_327] : memref<4096x2x4096xf32, #tpu.memory_space<hbm>> -> memref<4x2x4096xf32, #tpu.memory_space<hbm>>
    tpu.enqueue_dma source(%dma_start3A_328 : memref<4x2x4096xf32, #tpu.memory_space<hbm>>) target(%arg6 : memref<4x2x4096xf32, #tpu.memory_space<vmem>>) target_semaphore(%arg9 : memref<!tpu.dma_semaphore, #tpu.memory_space<semaphore_mem>>)
    %add3A_329 = arith.constant 40 : i32
    %add3A_330 = arith.addi %mul3A_2, %add3A_329 : i32
    %dma_wait3A_331 = arith.constant 0 : i32
    %dma_wait3A_332 = arith.constant 0 : i32
    %dma_wait3A_333 = tpu.memref_slice %arg2[%add3A_330, %dma_wait3A_331, %dma_wait3A_332] : memref<4096x2x4096xf32, #tpu.memory_space<hbm>> -> memref<4x2x4096xf32, #tpu.memory_space<hbm>>
    %dma_wait3A_334 = arith.constant 0 : i32
    %dma_wait3A_335 = arith.constant 0 : i32
    %dma_wait3A_336 = tpu.memref_slice %arg2[%add3A_330, %dma_wait3A_334, %dma_wait3A_335] : memref<4096x2x4096xf32, #tpu.memory_space<hbm>> -> memref<4x2x4096xf32, #tpu.memory_space<hbm>>
    tpu.wait_dma2 semaphore(%arg8 : memref<!tpu.dma_semaphore, #tpu.memory_space<semaphore_mem>>) src(%dma_wait3A_336 : memref<4x2x4096xf32, #tpu.memory_space<hbm>>) dst(%arg5 : memref<4x2x4096xf32, #tpu.memory_space<vmem>>)
    %add3A_337 = arith.constant 40 : i32
    %add3A_338 = arith.addi %mul3A_2, %add3A_337 : i32
    %dma_start3A_339 = arith.constant 0 : i32
    %dma_start3A_340 = arith.constant 0 : i32
    %dma_start3A_341 = tpu.memref_slice %arg3[%add3A_338, %dma_start3A_339, %dma_start3A_340] : memref<4096x2x4096xf32, #tpu.memory_space<hbm>> -> memref<4x2x4096xf32, #tpu.memory_space<hbm>>
    %dma_start3A_342 = arith.constant 0 : i32
    %dma_start3A_343 = arith.constant 0 : i32
    %dma_start3A_344 = tpu.memref_slice %arg3[%add3A_338, %dma_start3A_342, %dma_start3A_343] : memref<4096x2x4096xf32, #tpu.memory_space<hbm>> -> memref<4x2x4096xf32, #tpu.memory_space<hbm>>
    tpu.enqueue_dma source(%arg5 : memref<4x2x4096xf32, #tpu.memory_space<vmem>>) target(%dma_start3A_344 : memref<4x2x4096xf32, #tpu.memory_space<hbm>>) target_semaphore(%arg11 : memref<!tpu.dma_semaphore, #tpu.memory_space<semaphore_mem>>)
    %add3A_345 = arith.constant 36 : i32
    %add3A_346 = arith.addi %mul3A_2, %add3A_345 : i32
    %dma_wait3A_347 = arith.constant 0 : i32
    %dma_wait3A_348 = arith.constant 0 : i32
    %dma_wait3A_349 = tpu.memref_slice %arg3[%add3A_346, %dma_wait3A_347, %dma_wait3A_348] : memref<4096x2x4096xf32, #tpu.memory_space<hbm>> -> memref<4x2x4096xf32, #tpu.memory_space<hbm>>
    %dma_wait3A_350 = arith.constant 0 : i32
    %dma_wait3A_351 = arith.constant 0 : i32
    %dma_wait3A_352 = tpu.memref_slice %arg3[%add3A_346, %dma_wait3A_350, %dma_wait3A_351] : memref<4096x2x4096xf32, #tpu.memory_space<hbm>> -> memref<4x2x4096xf32, #tpu.memory_space<hbm>>
    tpu.wait_dma2 semaphore(%arg10 : memref<!tpu.dma_semaphore, #tpu.memory_space<semaphore_mem>>) src(%arg4 : memref<4x2x4096xf32, #tpu.memory_space<vmem>>) dst(%dma_wait3A_352 : memref<4x2x4096xf32, #tpu.memory_space<hbm>>)
    %add3A_353 = arith.constant 48 : i32
    %add3A_354 = arith.addi %mul3A_2, %add3A_353 : i32
    %dma_start3A_355 = arith.constant 0 : i32
    %dma_start3A_356 = arith.constant 0 : i32
    %dma_start3A_357 = tpu.memref_slice %arg2[%add3A_354, %dma_start3A_355, %dma_start3A_356] : memref<4096x2x4096xf32, #tpu.memory_space<hbm>> -> memref<4x2x4096xf32, #tpu.memory_space<hbm>>
    %dma_start3A_358 = arith.constant 0 : i32
    %dma_start3A_359 = arith.constant 0 : i32
    %dma_start3A_360 = tpu.memref_slice %arg2[%add3A_354, %dma_start3A_358, %dma_start3A_359] : memref<4096x2x4096xf32, #tpu.memory_space<hbm>> -> memref<4x2x4096xf32, #tpu.memory_space<hbm>>
    tpu.enqueue_dma source(%dma_start3A_360 : memref<4x2x4096xf32, #tpu.memory_space<hbm>>) target(%arg4 : memref<4x2x4096xf32, #tpu.memory_space<vmem>>) target_semaphore(%arg7 : memref<!tpu.dma_semaphore, #tpu.memory_space<semaphore_mem>>)
    %add3A_361 = arith.constant 44 : i32
    %add3A_362 = arith.addi %mul3A_2, %add3A_361 : i32
    %dma_wait3A_363 = arith.constant 0 : i32
    %dma_wait3A_364 = arith.constant 0 : i32
    %dma_wait3A_365 = tpu.memref_slice %arg2[%add3A_362, %dma_wait3A_363, %dma_wait3A_364] : memref<4096x2x4096xf32, #tpu.memory_space<hbm>> -> memref<4x2x4096xf32, #tpu.memory_space<hbm>>
    %dma_wait3A_366 = arith.constant 0 : i32
    %dma_wait3A_367 = arith.constant 0 : i32
    %dma_wait3A_368 = tpu.memref_slice %arg2[%add3A_362, %dma_wait3A_366, %dma_wait3A_367] : memref<4096x2x4096xf32, #tpu.memory_space<hbm>> -> memref<4x2x4096xf32, #tpu.memory_space<hbm>>
    tpu.wait_dma2 semaphore(%arg9 : memref<!tpu.dma_semaphore, #tpu.memory_space<semaphore_mem>>) src(%dma_wait3A_368 : memref<4x2x4096xf32, #tpu.memory_space<hbm>>) dst(%arg6 : memref<4x2x4096xf32, #tpu.memory_space<vmem>>)
    %add3A_369 = arith.constant 44 : i32
    %add3A_370 = arith.addi %mul3A_2, %add3A_369 : i32
    %dma_start3A_371 = arith.constant 0 : i32
    %dma_start3A_372 = arith.constant 0 : i32
    %dma_start3A_373 = tpu.memref_slice %arg3[%add3A_370, %dma_start3A_371, %dma_start3A_372] : memref<4096x2x4096xf32, #tpu.memory_space<hbm>> -> memref<4x2x4096xf32, #tpu.memory_space<hbm>>
    %dma_start3A_374 = arith.constant 0 : i32
    %dma_start3A_375 = arith.constant 0 : i32
    %dma_start3A_376 = tpu.memref_slice %arg3[%add3A_370, %dma_start3A_374, %dma_start3A_375] : memref<4096x2x4096xf32, #tpu.memory_space<hbm>> -> memref<4x2x4096xf32, #tpu.memory_space<hbm>>
    tpu.enqueue_dma source(%arg6 : memref<4x2x4096xf32, #tpu.memory_space<vmem>>) target(%dma_start3A_376 : memref<4x2x4096xf32, #tpu.memory_space<hbm>>) target_semaphore(%arg12 : memref<!tpu.dma_semaphore, #tpu.memory_space<semaphore_mem>>)
    %add3A_377 = arith.constant 40 : i32
    %add3A_378 = arith.addi %mul3A_2, %add3A_377 : i32
    %dma_wait3A_379 = arith.constant 0 : i32
    %dma_wait3A_380 = arith.constant 0 : i32
    %dma_wait3A_381 = tpu.memref_slice %arg3[%add3A_378, %dma_wait3A_379, %dma_wait3A_380] : memref<4096x2x4096xf32, #tpu.memory_space<hbm>> -> memref<4x2x4096xf32, #tpu.memory_space<hbm>>
    %dma_wait3A_382 = arith.constant 0 : i32
    %dma_wait3A_383 = arith.constant 0 : i32
    %dma_wait3A_384 = tpu.memref_slice %arg3[%add3A_378, %dma_wait3A_382, %dma_wait3A_383] : memref<4096x2x4096xf32, #tpu.memory_space<hbm>> -> memref<4x2x4096xf32, #tpu.memory_space<hbm>>
    tpu.wait_dma2 semaphore(%arg11 : memref<!tpu.dma_semaphore, #tpu.memory_space<semaphore_mem>>) src(%arg5 : memref<4x2x4096xf32, #tpu.memory_space<vmem>>) dst(%dma_wait3A_384 : memref<4x2x4096xf32, #tpu.memory_space<hbm>>)
    %add3A_385 = arith.constant 52 : i32
    %add3A_386 = arith.addi %mul3A_2, %add3A_385 : i32
    %dma_start3A_387 = arith.constant 0 : i32
    %dma_start3A_388 = arith.constant 0 : i32
    %dma_start3A_389 = tpu.memref_slice %arg2[%add3A_386, %dma_start3A_387, %dma_start3A_388] : memref<4096x2x4096xf32, #tpu.memory_space<hbm>> -> memref<4x2x4096xf32, #tpu.memory_space<hbm>>
    %dma_start3A_390 = arith.constant 0 : i32
    %dma_start3A_391 = arith.constant 0 : i32
    %dma_start3A_392 = tpu.memref_slice %arg2[%add3A_386, %dma_start3A_390, %dma_start3A_391] : memref<4096x2x4096xf32, #tpu.memory_space<hbm>> -> memref<4x2x4096xf32, #tpu.memory_space<hbm>>
    tpu.enqueue_dma source(%dma_start3A_392 : memref<4x2x4096xf32, #tpu.memory_space<hbm>>) target(%arg5 : memref<4x2x4096xf32, #tpu.memory_space<vmem>>) target_semaphore(%arg8 : memref<!tpu.dma_semaphore, #tpu.memory_space<semaphore_mem>>)
    %add3A_393 = arith.constant 48 : i32
    %add3A_394 = arith.addi %mul3A_2, %add3A_393 : i32
    %dma_wait3A_395 = arith.constant 0 : i32
    %dma_wait3A_396 = arith.constant 0 : i32
    %dma_wait3A_397 = tpu.memref_slice %arg2[%add3A_394, %dma_wait3A_395, %dma_wait3A_396] : memref<4096x2x4096xf32, #tpu.memory_space<hbm>> -> memref<4x2x4096xf32, #tpu.memory_space<hbm>>
    %dma_wait3A_398 = arith.constant 0 : i32
    %dma_wait3A_399 = arith.constant 0 : i32
    %dma_wait3A_400 = tpu.memref_slice %arg2[%add3A_394, %dma_wait3A_398, %dma_wait3A_399] : memref<4096x2x4096xf32, #tpu.memory_space<hbm>> -> memref<4x2x4096xf32, #tpu.memory_space<hbm>>
    tpu.wait_dma2 semaphore(%arg7 : memref<!tpu.dma_semaphore, #tpu.memory_space<semaphore_mem>>) src(%dma_wait3A_400 : memref<4x2x4096xf32, #tpu.memory_space<hbm>>) dst(%arg4 : memref<4x2x4096xf32, #tpu.memory_space<vmem>>)
    %add3A_401 = arith.constant 48 : i32
    %add3A_402 = arith.addi %mul3A_2, %add3A_401 : i32
    %dma_start3A_403 = arith.constant 0 : i32
    %dma_start3A_404 = arith.constant 0 : i32
    %dma_start3A_405 = tpu.memref_slice %arg3[%add3A_402, %dma_start3A_403, %dma_start3A_404] : memref<4096x2x4096xf32, #tpu.memory_space<hbm>> -> memref<4x2x4096xf32, #tpu.memory_space<hbm>>
    %dma_start3A_406 = arith.constant 0 : i32
    %dma_start3A_407 = arith.constant 0 : i32
    %dma_start3A_408 = tpu.memref_slice %arg3[%add3A_402, %dma_start3A_406, %dma_start3A_407] : memref<4096x2x4096xf32, #tpu.memory_space<hbm>> -> memref<4x2x4096xf32, #tpu.memory_space<hbm>>
    tpu.enqueue_dma source(%arg4 : memref<4x2x4096xf32, #tpu.memory_space<vmem>>) target(%dma_start3A_408 : memref<4x2x4096xf32, #tpu.memory_space<hbm>>) target_semaphore(%arg10 : memref<!tpu.dma_semaphore, #tpu.memory_space<semaphore_mem>>)
    %add3A_409 = arith.constant 44 : i32
    %add3A_410 = arith.addi %mul3A_2, %add3A_409 : i32
    %dma_wait3A_411 = arith.constant 0 : i32
    %dma_wait3A_412 = arith.constant 0 : i32
    %dma_wait3A_413 = tpu.memref_slice %arg3[%add3A_410, %dma_wait3A_411, %dma_wait3A_412] : memref<4096x2x4096xf32, #tpu.memory_space<hbm>> -> memref<4x2x4096xf32, #tpu.memory_space<hbm>>
    %dma_wait3A_414 = arith.constant 0 : i32
    %dma_wait3A_415 = arith.constant 0 : i32
    %dma_wait3A_416 = tpu.memref_slice %arg3[%add3A_410, %dma_wait3A_414, %dma_wait3A_415] : memref<4096x2x4096xf32, #tpu.memory_space<hbm>> -> memref<4x2x4096xf32, #tpu.memory_space<hbm>>
    tpu.wait_dma2 semaphore(%arg12 : memref<!tpu.dma_semaphore, #tpu.memory_space<semaphore_mem>>) src(%arg6 : memref<4x2x4096xf32, #tpu.memory_space<vmem>>) dst(%dma_wait3A_416 : memref<4x2x4096xf32, #tpu.memory_space<hbm>>)
    %add3A_417 = arith.constant 56 : i32
    %add3A_418 = arith.addi %mul3A_2, %add3A_417 : i32
    %dma_start3A_419 = arith.constant 0 : i32
    %dma_start3A_420 = arith.constant 0 : i32
    %dma_start3A_421 = tpu.memref_slice %arg2[%add3A_418, %dma_start3A_419, %dma_start3A_420] : memref<4096x2x4096xf32, #tpu.memory_space<hbm>> -> memref<4x2x4096xf32, #tpu.memory_space<hbm>>
    %dma_start3A_422 = arith.constant 0 : i32
    %dma_start3A_423 = arith.constant 0 : i32
    %dma_start3A_424 = tpu.memref_slice %arg2[%add3A_418, %dma_start3A_422, %dma_start3A_423] : memref<4096x2x4096xf32, #tpu.memory_space<hbm>> -> memref<4x2x4096xf32, #tpu.memory_space<hbm>>
    tpu.enqueue_dma source(%dma_start3A_424 : memref<4x2x4096xf32, #tpu.memory_space<hbm>>) target(%arg6 : memref<4x2x4096xf32, #tpu.memory_space<vmem>>) target_semaphore(%arg9 : memref<!tpu.dma_semaphore, #tpu.memory_space<semaphore_mem>>)
    %add3A_425 = arith.constant 52 : i32
    %add3A_426 = arith.addi %mul3A_2, %add3A_425 : i32
    %dma_wait3A_427 = arith.constant 0 : i32
    %dma_wait3A_428 = arith.constant 0 : i32
    %dma_wait3A_429 = tpu.memref_slice %arg2[%add3A_426, %dma_wait3A_427, %dma_wait3A_428] : memref<4096x2x4096xf32, #tpu.memory_space<hbm>> -> memref<4x2x4096xf32, #tpu.memory_space<hbm>>
    %dma_wait3A_430 = arith.constant 0 : i32
    %dma_wait3A_431 = arith.constant 0 : i32
    %dma_wait3A_432 = tpu.memref_slice %arg2[%add3A_426, %dma_wait3A_430, %dma_wait3A_431] : memref<4096x2x4096xf32, #tpu.memory_space<hbm>> -> memref<4x2x4096xf32, #tpu.memory_space<hbm>>
    tpu.wait_dma2 semaphore(%arg8 : memref<!tpu.dma_semaphore, #tpu.memory_space<semaphore_mem>>) src(%dma_wait3A_432 : memref<4x2x4096xf32, #tpu.memory_space<hbm>>) dst(%arg5 : memref<4x2x4096xf32, #tpu.memory_space<vmem>>)
    %add3A_433 = arith.constant 52 : i32
    %add3A_434 = arith.addi %mul3A_2, %add3A_433 : i32
    %dma_start3A_435 = arith.constant 0 : i32
    %dma_start3A_436 = arith.constant 0 : i32
    %dma_start3A_437 = tpu.memref_slice %arg3[%add3A_434, %dma_start3A_435, %dma_start3A_436] : memref<4096x2x4096xf32, #tpu.memory_space<hbm>> -> memref<4x2x4096xf32, #tpu.memory_space<hbm>>
    %dma_start3A_438 = arith.constant 0 : i32
    %dma_start3A_439 = arith.constant 0 : i32
    %dma_start3A_440 = tpu.memref_slice %arg3[%add3A_434, %dma_start3A_438, %dma_start3A_439] : memref<4096x2x4096xf32, #tpu.memory_space<hbm>> -> memref<4x2x4096xf32, #tpu.memory_space<hbm>>
    tpu.enqueue_dma source(%arg5 : memref<4x2x4096xf32, #tpu.memory_space<vmem>>) target(%dma_start3A_440 : memref<4x2x4096xf32, #tpu.memory_space<hbm>>) target_semaphore(%arg11 : memref<!tpu.dma_semaphore, #tpu.memory_space<semaphore_mem>>)
    %add3A_441 = arith.constant 48 : i32
    %add3A_442 = arith.addi %mul3A_2, %add3A_441 : i32
    %dma_wait3A_443 = arith.constant 0 : i32
    %dma_wait3A_444 = arith.constant 0 : i32
    %dma_wait3A_445 = tpu.memref_slice %arg3[%add3A_442, %dma_wait3A_443, %dma_wait3A_444] : memref<4096x2x4096xf32, #tpu.memory_space<hbm>> -> memref<4x2x4096xf32, #tpu.memory_space<hbm>>
    %dma_wait3A_446 = arith.constant 0 : i32
    %dma_wait3A_447 = arith.constant 0 : i32
    %dma_wait3A_448 = tpu.memref_slice %arg3[%add3A_442, %dma_wait3A_446, %dma_wait3A_447] : memref<4096x2x4096xf32, #tpu.memory_space<hbm>> -> memref<4x2x4096xf32, #tpu.memory_space<hbm>>
    tpu.wait_dma2 semaphore(%arg10 : memref<!tpu.dma_semaphore, #tpu.memory_space<semaphore_mem>>) src(%arg4 : memref<4x2x4096xf32, #tpu.memory_space<vmem>>) dst(%dma_wait3A_448 : memref<4x2x4096xf32, #tpu.memory_space<hbm>>)
    %add3A_449 = arith.constant 60 : i32
    %add3A_450 = arith.addi %mul3A_2, %add3A_449 : i32
    %dma_start3A_451 = arith.constant 0 : i32
    %dma_start3A_452 = arith.constant 0 : i32
    %dma_start3A_453 = tpu.memref_slice %arg2[%add3A_450, %dma_start3A_451, %dma_start3A_452] : memref<4096x2x4096xf32, #tpu.memory_space<hbm>> -> memref<4x2x4096xf32, #tpu.memory_space<hbm>>
    %dma_start3A_454 = arith.constant 0 : i32
    %dma_start3A_455 = arith.constant 0 : i32
    %dma_start3A_456 = tpu.memref_slice %arg2[%add3A_450, %dma_start3A_454, %dma_start3A_455] : memref<4096x2x4096xf32, #tpu.memory_space<hbm>> -> memref<4x2x4096xf32, #tpu.memory_space<hbm>>
    tpu.enqueue_dma source(%dma_start3A_456 : memref<4x2x4096xf32, #tpu.memory_space<hbm>>) target(%arg4 : memref<4x2x4096xf32, #tpu.memory_space<vmem>>) target_semaphore(%arg7 : memref<!tpu.dma_semaphore, #tpu.memory_space<semaphore_mem>>)
    %add3A_457 = arith.constant 56 : i32
    %add3A_458 = arith.addi %mul3A_2, %add3A_457 : i32
    %dma_wait3A_459 = arith.constant 0 : i32
    %dma_wait3A_460 = arith.constant 0 : i32
    %dma_wait3A_461 = tpu.memref_slice %arg2[%add3A_458, %dma_wait3A_459, %dma_wait3A_460] : memref<4096x2x4096xf32, #tpu.memory_space<hbm>> -> memref<4x2x4096xf32, #tpu.memory_space<hbm>>
    %dma_wait3A_462 = arith.constant 0 : i32
    %dma_wait3A_463 = arith.constant 0 : i32
    %dma_wait3A_464 = tpu.memref_slice %arg2[%add3A_458, %dma_wait3A_462, %dma_wait3A_463] : memref<4096x2x4096xf32, #tpu.memory_space<hbm>> -> memref<4x2x4096xf32, #tpu.memory_space<hbm>>
    tpu.wait_dma2 semaphore(%arg9 : memref<!tpu.dma_semaphore, #tpu.memory_space<semaphore_mem>>) src(%dma_wait3A_464 : memref<4x2x4096xf32, #tpu.memory_space<hbm>>) dst(%arg6 : memref<4x2x4096xf32, #tpu.memory_space<vmem>>)
    %add3A_465 = arith.constant 56 : i32
    %add3A_466 = arith.addi %mul3A_2, %add3A_465 : i32
    %dma_start3A_467 = arith.constant 0 : i32
    %dma_start3A_468 = arith.constant 0 : i32
    %dma_start3A_469 = tpu.memref_slice %arg3[%add3A_466, %dma_start3A_467, %dma_start3A_468] : memref<4096x2x4096xf32, #tpu.memory_space<hbm>> -> memref<4x2x4096xf32, #tpu.memory_space<hbm>>
    %dma_start3A_470 = arith.constant 0 : i32
    %dma_start3A_471 = arith.constant 0 : i32
    %dma_start3A_472 = tpu.memref_slice %arg3[%add3A_466, %dma_start3A_470, %dma_start3A_471] : memref<4096x2x4096xf32, #tpu.memory_space<hbm>> -> memref<4x2x4096xf32, #tpu.memory_space<hbm>>
    tpu.enqueue_dma source(%arg6 : memref<4x2x4096xf32, #tpu.memory_space<vmem>>) target(%dma_start3A_472 : memref<4x2x4096xf32, #tpu.memory_space<hbm>>) target_semaphore(%arg12 : memref<!tpu.dma_semaphore, #tpu.memory_space<semaphore_mem>>)
    %add3A_473 = arith.constant 52 : i32
    %add3A_474 = arith.addi %mul3A_2, %add3A_473 : i32
    %dma_wait3A_475 = arith.constant 0 : i32
    %dma_wait3A_476 = arith.constant 0 : i32
    %dma_wait3A_477 = tpu.memref_slice %arg3[%add3A_474, %dma_wait3A_475, %dma_wait3A_476] : memref<4096x2x4096xf32, #tpu.memory_space<hbm>> -> memref<4x2x4096xf32, #tpu.memory_space<hbm>>
    %dma_wait3A_478 = arith.constant 0 : i32
    %dma_wait3A_479 = arith.constant 0 : i32
    %dma_wait3A_480 = tpu.memref_slice %arg3[%add3A_474, %dma_wait3A_478, %dma_wait3A_479] : memref<4096x2x4096xf32, #tpu.memory_space<hbm>> -> memref<4x2x4096xf32, #tpu.memory_space<hbm>>
    tpu.wait_dma2 semaphore(%arg11 : memref<!tpu.dma_semaphore, #tpu.memory_space<semaphore_mem>>) src(%arg5 : memref<4x2x4096xf32, #tpu.memory_space<vmem>>) dst(%dma_wait3A_480 : memref<4x2x4096xf32, #tpu.memory_space<hbm>>)
    %add3A_481 = arith.constant 64 : i32
    %add3A_482 = arith.addi %mul3A_2, %add3A_481 : i32
    %dma_start3A_483 = arith.constant 0 : i32
    %dma_start3A_484 = arith.constant 0 : i32
    %dma_start3A_485 = tpu.memref_slice %arg2[%add3A_482, %dma_start3A_483, %dma_start3A_484] : memref<4096x2x4096xf32, #tpu.memory_space<hbm>> -> memref<4x2x4096xf32, #tpu.memory_space<hbm>>
    %dma_start3A_486 = arith.constant 0 : i32
    %dma_start3A_487 = arith.constant 0 : i32
    %dma_start3A_488 = tpu.memref_slice %arg2[%add3A_482, %dma_start3A_486, %dma_start3A_487] : memref<4096x2x4096xf32, #tpu.memory_space<hbm>> -> memref<4x2x4096xf32, #tpu.memory_space<hbm>>
    tpu.enqueue_dma source(%dma_start3A_488 : memref<4x2x4096xf32, #tpu.memory_space<hbm>>) target(%arg5 : memref<4x2x4096xf32, #tpu.memory_space<vmem>>) target_semaphore(%arg8 : memref<!tpu.dma_semaphore, #tpu.memory_space<semaphore_mem>>)
    %add3A_489 = arith.constant 60 : i32
    %add3A_490 = arith.addi %mul3A_2, %add3A_489 : i32
    %dma_wait3A_491 = arith.constant 0 : i32
    %dma_wait3A_492 = arith.constant 0 : i32
    %dma_wait3A_493 = tpu.memref_slice %arg2[%add3A_490, %dma_wait3A_491, %dma_wait3A_492] : memref<4096x2x4096xf32, #tpu.memory_space<hbm>> -> memref<4x2x4096xf32, #tpu.memory_space<hbm>>
    %dma_wait3A_494 = arith.constant 0 : i32
    %dma_wait3A_495 = arith.constant 0 : i32
    %dma_wait3A_496 = tpu.memref_slice %arg2[%add3A_490, %dma_wait3A_494, %dma_wait3A_495] : memref<4096x2x4096xf32, #tpu.memory_space<hbm>> -> memref<4x2x4096xf32, #tpu.memory_space<hbm>>
    tpu.wait_dma2 semaphore(%arg7 : memref<!tpu.dma_semaphore, #tpu.memory_space<semaphore_mem>>) src(%dma_wait3A_496 : memref<4x2x4096xf32, #tpu.memory_space<hbm>>) dst(%arg4 : memref<4x2x4096xf32, #tpu.memory_space<vmem>>)
    %add3A_497 = arith.constant 60 : i32
    %add3A_498 = arith.addi %mul3A_2, %add3A_497 : i32
    %dma_start3A_499 = arith.constant 0 : i32
    %dma_start3A_500 = arith.constant 0 : i32
    %dma_start3A_501 = tpu.memref_slice %arg3[%add3A_498, %dma_start3A_499, %dma_start3A_500] : memref<4096x2x4096xf32, #tpu.memory_space<hbm>> -> memref<4x2x4096xf32, #tpu.memory_space<hbm>>
    %dma_start3A_502 = arith.constant 0 : i32
    %dma_start3A_503 = arith.constant 0 : i32
    %dma_start3A_504 = tpu.memref_slice %arg3[%add3A_498, %dma_start3A_502, %dma_start3A_503] : memref<4096x2x4096xf32, #tpu.memory_space<hbm>> -> memref<4x2x4096xf32, #tpu.memory_space<hbm>>
    tpu.enqueue_dma source(%arg4 : memref<4x2x4096xf32, #tpu.memory_space<vmem>>) target(%dma_start3A_504 : memref<4x2x4096xf32, #tpu.memory_space<hbm>>) target_semaphore(%arg10 : memref<!tpu.dma_semaphore, #tpu.memory_space<semaphore_mem>>)
    %add3A_505 = arith.constant 56 : i32
    %add3A_506 = arith.addi %mul3A_2, %add3A_505 : i32
    %dma_wait3A_507 = arith.constant 0 : i32
    %dma_wait3A_508 = arith.constant 0 : i32
    %dma_wait3A_509 = tpu.memref_slice %arg3[%add3A_506, %dma_wait3A_507, %dma_wait3A_508] : memref<4096x2x4096xf32, #tpu.memory_space<hbm>> -> memref<4x2x4096xf32, #tpu.memory_space<hbm>>
    %dma_wait3A_510 = arith.constant 0 : i32
    %dma_wait3A_511 = arith.constant 0 : i32
    %dma_wait3A_512 = tpu.memref_slice %arg3[%add3A_506, %dma_wait3A_510, %dma_wait3A_511] : memref<4096x2x4096xf32, #tpu.memory_space<hbm>> -> memref<4x2x4096xf32, #tpu.memory_space<hbm>>
    tpu.wait_dma2 semaphore(%arg12 : memref<!tpu.dma_semaphore, #tpu.memory_space<semaphore_mem>>) src(%arg6 : memref<4x2x4096xf32, #tpu.memory_space<vmem>>) dst(%dma_wait3A_512 : memref<4x2x4096xf32, #tpu.memory_space<hbm>>)
    %add3A_513 = arith.constant 68 : i32
    %add3A_514 = arith.addi %mul3A_2, %add3A_513 : i32
    %dma_start3A_515 = arith.constant 0 : i32
    %dma_start3A_516 = arith.constant 0 : i32
    %dma_start3A_517 = tpu.memref_slice %arg2[%add3A_514, %dma_start3A_515, %dma_start3A_516] : memref<4096x2x4096xf32, #tpu.memory_space<hbm>> -> memref<4x2x4096xf32, #tpu.memory_space<hbm>>
    %dma_start3A_518 = arith.constant 0 : i32
    %dma_start3A_519 = arith.constant 0 : i32
    %dma_start3A_520 = tpu.memref_slice %arg2[%add3A_514, %dma_start3A_518, %dma_start3A_519] : memref<4096x2x4096xf32, #tpu.memory_space<hbm>> -> memref<4x2x4096xf32, #tpu.memory_space<hbm>>
    tpu.enqueue_dma source(%dma_start3A_520 : memref<4x2x4096xf32, #tpu.memory_space<hbm>>) target(%arg6 : memref<4x2x4096xf32, #tpu.memory_space<vmem>>) target_semaphore(%arg9 : memref<!tpu.dma_semaphore, #tpu.memory_space<semaphore_mem>>)
    %add3A_521 = arith.constant 64 : i32
    %add3A_522 = arith.addi %mul3A_2, %add3A_521 : i32
    %dma_wait3A_523 = arith.constant 0 : i32
    %dma_wait3A_524 = arith.constant 0 : i32
    %dma_wait3A_525 = tpu.memref_slice %arg2[%add3A_522, %dma_wait3A_523, %dma_wait3A_524] : memref<4096x2x4096xf32, #tpu.memory_space<hbm>> -> memref<4x2x4096xf32, #tpu.memory_space<hbm>>
    %dma_wait3A_526 = arith.constant 0 : i32
    %dma_wait3A_527 = arith.constant 0 : i32
    %dma_wait3A_528 = tpu.memref_slice %arg2[%add3A_522, %dma_wait3A_526, %dma_wait3A_527] : memref<4096x2x4096xf32, #tpu.memory_space<hbm>> -> memref<4x2x4096xf32, #tpu.memory_space<hbm>>
    tpu.wait_dma2 semaphore(%arg8 : memref<!tpu.dma_semaphore, #tpu.memory_space<semaphore_mem>>) src(%dma_wait3A_528 : memref<4x2x4096xf32, #tpu.memory_space<hbm>>) dst(%arg5 : memref<4x2x4096xf32, #tpu.memory_space<vmem>>)
    %add3A_529 = arith.constant 64 : i32
    %add3A_530 = arith.addi %mul3A_2, %add3A_529 : i32
    %dma_start3A_531 = arith.constant 0 : i32
    %dma_start3A_532 = arith.constant 0 : i32
    %dma_start3A_533 = tpu.memref_slice %arg3[%add3A_530, %dma_start3A_531, %dma_start3A_532] : memref<4096x2x4096xf32, #tpu.memory_space<hbm>> -> memref<4x2x4096xf32, #tpu.memory_space<hbm>>
    %dma_start3A_534 = arith.constant 0 : i32
    %dma_start3A_535 = arith.constant 0 : i32
    %dma_start3A_536 = tpu.memref_slice %arg3[%add3A_530, %dma_start3A_534, %dma_start3A_535] : memref<4096x2x4096xf32, #tpu.memory_space<hbm>> -> memref<4x2x4096xf32, #tpu.memory_space<hbm>>
    tpu.enqueue_dma source(%arg5 : memref<4x2x4096xf32, #tpu.memory_space<vmem>>) target(%dma_start3A_536 : memref<4x2x4096xf32, #tpu.memory_space<hbm>>) target_semaphore(%arg11 : memref<!tpu.dma_semaphore, #tpu.memory_space<semaphore_mem>>)
    %add3A_537 = arith.constant 60 : i32
    %add3A_538 = arith.addi %mul3A_2, %add3A_537 : i32
    %dma_wait3A_539 = arith.constant 0 : i32
    %dma_wait3A_540 = arith.constant 0 : i32
    %dma_wait3A_541 = tpu.memref_slice %arg3[%add3A_538, %dma_wait3A_539, %dma_wait3A_540] : memref<4096x2x4096xf32, #tpu.memory_space<hbm>> -> memref<4x2x4096xf32, #tpu.memory_space<hbm>>
    %dma_wait3A_542 = arith.constant 0 : i32
    %dma_wait3A_543 = arith.constant 0 : i32
    %dma_wait3A_544 = tpu.memref_slice %arg3[%add3A_538, %dma_wait3A_542, %dma_wait3A_543] : memref<4096x2x4096xf32, #tpu.memory_space<hbm>> -> memref<4x2x4096xf32, #tpu.memory_space<hbm>>
    tpu.wait_dma2 semaphore(%arg10 : memref<!tpu.dma_semaphore, #tpu.memory_space<semaphore_mem>>) src(%arg4 : memref<4x2x4096xf32, #tpu.memory_space<vmem>>) dst(%dma_wait3A_544 : memref<4x2x4096xf32, #tpu.memory_space<hbm>>)
    %add3A_545 = arith.constant 72 : i32
    %add3A_546 = arith.addi %mul3A_2, %add3A_545 : i32
    %dma_start3A_547 = arith.constant 0 : i32
    %dma_start3A_548 = arith.constant 0 : i32
    %dma_start3A_549 = tpu.memref_slice %arg2[%add3A_546, %dma_start3A_547, %dma_start3A_548] : memref<4096x2x4096xf32, #tpu.memory_space<hbm>> -> memref<4x2x4096xf32, #tpu.memory_space<hbm>>
    %dma_start3A_550 = arith.constant 0 : i32
    %dma_start3A_551 = arith.constant 0 : i32
    %dma_start3A_552 = tpu.memref_slice %arg2[%add3A_546, %dma_start3A_550, %dma_start3A_551] : memref<4096x2x4096xf32, #tpu.memory_space<hbm>> -> memref<4x2x4096xf32, #tpu.memory_space<hbm>>
    tpu.enqueue_dma source(%dma_start3A_552 : memref<4x2x4096xf32, #tpu.memory_space<hbm>>) target(%arg4 : memref<4x2x4096xf32, #tpu.memory_space<vmem>>) target_semaphore(%arg7 : memref<!tpu.dma_semaphore, #tpu.memory_space<semaphore_mem>>)
    %add3A_553 = arith.constant 68 : i32
    %add3A_554 = arith.addi %mul3A_2, %add3A_553 : i32
    %dma_wait3A_555 = arith.constant 0 : i32
    %dma_wait3A_556 = arith.constant 0 : i32
    %dma_wait3A_557 = tpu.memref_slice %arg2[%add3A_554, %dma_wait3A_555, %dma_wait3A_556] : memref<4096x2x4096xf32, #tpu.memory_space<hbm>> -> memref<4x2x4096xf32, #tpu.memory_space<hbm>>
    %dma_wait3A_558 = arith.constant 0 : i32
    %dma_wait3A_559 = arith.constant 0 : i32
    %dma_wait3A_560 = tpu.memref_slice %arg2[%add3A_554, %dma_wait3A_558, %dma_wait3A_559] : memref<4096x2x4096xf32, #tpu.memory_space<hbm>> -> memref<4x2x4096xf32, #tpu.memory_space<hbm>>
    tpu.wait_dma2 semaphore(%arg9 : memref<!tpu.dma_semaphore, #tpu.memory_space<semaphore_mem>>) src(%dma_wait3A_560 : memref<4x2x4096xf32, #tpu.memory_space<hbm>>) dst(%arg6 : memref<4x2x4096xf32, #tpu.memory_space<vmem>>)
    %add3A_561 = arith.constant 68 : i32
    %add3A_562 = arith.addi %mul3A_2, %add3A_561 : i32
    %dma_start3A_563 = arith.constant 0 : i32
    %dma_start3A_564 = arith.constant 0 : i32
    %dma_start3A_565 = tpu.memref_slice %arg3[%add3A_562, %dma_start3A_563, %dma_start3A_564] : memref<4096x2x4096xf32, #tpu.memory_space<hbm>> -> memref<4x2x4096xf32, #tpu.memory_space<hbm>>
    %dma_start3A_566 = arith.constant 0 : i32
    %dma_start3A_567 = arith.constant 0 : i32
    %dma_start3A_568 = tpu.memref_slice %arg3[%add3A_562, %dma_start3A_566, %dma_start3A_567] : memref<4096x2x4096xf32, #tpu.memory_space<hbm>> -> memref<4x2x4096xf32, #tpu.memory_space<hbm>>
    tpu.enqueue_dma source(%arg6 : memref<4x2x4096xf32, #tpu.memory_space<vmem>>) target(%dma_start3A_568 : memref<4x2x4096xf32, #tpu.memory_space<hbm>>) target_semaphore(%arg12 : memref<!tpu.dma_semaphore, #tpu.memory_space<semaphore_mem>>)
    %add3A_569 = arith.constant 64 : i32
    %add3A_570 = arith.addi %mul3A_2, %add3A_569 : i32
    %dma_wait3A_571 = arith.constant 0 : i32
    %dma_wait3A_572 = arith.constant 0 : i32
    %dma_wait3A_573 = tpu.memref_slice %arg3[%add3A_570, %dma_wait3A_571, %dma_wait3A_572] : memref<4096x2x4096xf32, #tpu.memory_space<hbm>> -> memref<4x2x4096xf32, #tpu.memory_space<hbm>>
    %dma_wait3A_574 = arith.constant 0 : i32
    %dma_wait3A_575 = arith.constant 0 : i32
    %dma_wait3A_576 = tpu.memref_slice %arg3[%add3A_570, %dma_wait3A_574, %dma_wait3A_575] : memref<4096x2x4096xf32, #tpu.memory_space<hbm>> -> memref<4x2x4096xf32, #tpu.memory_space<hbm>>
    tpu.wait_dma2 semaphore(%arg11 : memref<!tpu.dma_semaphore, #tpu.memory_space<semaphore_mem>>) src(%arg5 : memref<4x2x4096xf32, #tpu.memory_space<vmem>>) dst(%dma_wait3A_576 : memref<4x2x4096xf32, #tpu.memory_space<hbm>>)
    %add3A_577 = arith.constant 76 : i32
    %add3A_578 = arith.addi %mul3A_2, %add3A_577 : i32
    %dma_start3A_579 = arith.constant 0 : i32
    %dma_start3A_580 = arith.constant 0 : i32
    %dma_start3A_581 = tpu.memref_slice %arg2[%add3A_578, %dma_start3A_579, %dma_start3A_580] : memref<4096x2x4096xf32, #tpu.memory_space<hbm>> -> memref<4x2x4096xf32, #tpu.memory_space<hbm>>
    %dma_start3A_582 = arith.constant 0 : i32
    %dma_start3A_583 = arith.constant 0 : i32
    %dma_start3A_584 = tpu.memref_slice %arg2[%add3A_578, %dma_start3A_582, %dma_start3A_583] : memref<4096x2x4096xf32, #tpu.memory_space<hbm>> -> memref<4x2x4096xf32, #tpu.memory_space<hbm>>
    tpu.enqueue_dma source(%dma_start3A_584 : memref<4x2x4096xf32, #tpu.memory_space<hbm>>) target(%arg5 : memref<4x2x4096xf32, #tpu.memory_space<vmem>>) target_semaphore(%arg8 : memref<!tpu.dma_semaphore, #tpu.memory_space<semaphore_mem>>)
    %add3A_585 = arith.constant 72 : i32
    %add3A_586 = arith.addi %mul3A_2, %add3A_585 : i32
    %dma_wait3A_587 = arith.constant 0 : i32
    %dma_wait3A_588 = arith.constant 0 : i32
    %dma_wait3A_589 = tpu.memref_slice %arg2[%add3A_586, %dma_wait3A_587, %dma_wait3A_588] : memref<4096x2x4096xf32, #tpu.memory_space<hbm>> -> memref<4x2x4096xf32, #tpu.memory_space<hbm>>
    %dma_wait3A_590 = arith.constant 0 : i32
    %dma_wait3A_591 = arith.constant 0 : i32
    %dma_wait3A_592 = tpu.memref_slice %arg2[%add3A_586, %dma_wait3A_590, %dma_wait3A_591] : memref<4096x2x4096xf32, #tpu.memory_space<hbm>> -> memref<4x2x4096xf32, #tpu.memory_space<hbm>>
    tpu.wait_dma2 semaphore(%arg7 : memref<!tpu.dma_semaphore, #tpu.memory_space<semaphore_mem>>) src(%dma_wait3A_592 : memref<4x2x4096xf32, #tpu.memory_space<hbm>>) dst(%arg4 : memref<4x2x4096xf32, #tpu.memory_space<vmem>>)
    %add3A_593 = arith.constant 72 : i32
    %add3A_594 = arith.addi %mul3A_2, %add3A_593 : i32
    %dma_start3A_595 = arith.constant 0 : i32
    %dma_start3A_596 = arith.constant 0 : i32
    %dma_start3A_597 = tpu.memref_slice %arg3[%add3A_594, %dma_start3A_595, %dma_start3A_596] : memref<4096x2x4096xf32, #tpu.memory_space<hbm>> -> memref<4x2x4096xf32, #tpu.memory_space<hbm>>
    %dma_start3A_598 = arith.constant 0 : i32
    %dma_start3A_599 = arith.constant 0 : i32
    %dma_start3A_600 = tpu.memref_slice %arg3[%add3A_594, %dma_start3A_598, %dma_start3A_599] : memref<4096x2x4096xf32, #tpu.memory_space<hbm>> -> memref<4x2x4096xf32, #tpu.memory_space<hbm>>
    tpu.enqueue_dma source(%arg4 : memref<4x2x4096xf32, #tpu.memory_space<vmem>>) target(%dma_start3A_600 : memref<4x2x4096xf32, #tpu.memory_space<hbm>>) target_semaphore(%arg10 : memref<!tpu.dma_semaphore, #tpu.memory_space<semaphore_mem>>)
    %add3A_601 = arith.constant 68 : i32
    %add3A_602 = arith.addi %mul3A_2, %add3A_601 : i32
    %dma_wait3A_603 = arith.constant 0 : i32
    %dma_wait3A_604 = arith.constant 0 : i32
    %dma_wait3A_605 = tpu.memref_slice %arg3[%add3A_602, %dma_wait3A_603, %dma_wait3A_604] : memref<4096x2x4096xf32, #tpu.memory_space<hbm>> -> memref<4x2x4096xf32, #tpu.memory_space<hbm>>
    %dma_wait3A_606 = arith.constant 0 : i32
    %dma_wait3A_607 = arith.constant 0 : i32
    %dma_wait3A_608 = tpu.memref_slice %arg3[%add3A_602, %dma_wait3A_606, %dma_wait3A_607] : memref<4096x2x4096xf32, #tpu.memory_space<hbm>> -> memref<4x2x4096xf32, #tpu.memory_space<hbm>>
    tpu.wait_dma2 semaphore(%arg12 : memref<!tpu.dma_semaphore, #tpu.memory_space<semaphore_mem>>) src(%arg6 : memref<4x2x4096xf32, #tpu.memory_space<vmem>>) dst(%dma_wait3A_608 : memref<4x2x4096xf32, #tpu.memory_space<hbm>>)
    %add3A_609 = arith.constant 80 : i32
    %add3A_610 = arith.addi %mul3A_2, %add3A_609 : i32
    %dma_start3A_611 = arith.constant 0 : i32
    %dma_start3A_612 = arith.constant 0 : i32
    %dma_start3A_613 = tpu.memref_slice %arg2[%add3A_610, %dma_start3A_611, %dma_start3A_612] : memref<4096x2x4096xf32, #tpu.memory_space<hbm>> -> memref<4x2x4096xf32, #tpu.memory_space<hbm>>
    %dma_start3A_614 = arith.constant 0 : i32
    %dma_start3A_615 = arith.constant 0 : i32
    %dma_start3A_616 = tpu.memref_slice %arg2[%add3A_610, %dma_start3A_614, %dma_start3A_615] : memref<4096x2x4096xf32, #tpu.memory_space<hbm>> -> memref<4x2x4096xf32, #tpu.memory_space<hbm>>
    tpu.enqueue_dma source(%dma_start3A_616 : memref<4x2x4096xf32, #tpu.memory_space<hbm>>) target(%arg6 : memref<4x2x4096xf32, #tpu.memory_space<vmem>>) target_semaphore(%arg9 : memref<!tpu.dma_semaphore, #tpu.memory_space<semaphore_mem>>)
    %add3A_617 = arith.constant 76 : i32
    %add3A_618 = arith.addi %mul3A_2, %add3A_617 : i32
    %dma_wait3A_619 = arith.constant 0 : i32
    %dma_wait3A_620 = arith.constant 0 : i32
    %dma_wait3A_621 = tpu.memref_slice %arg2[%add3A_618, %dma_wait3A_619, %dma_wait3A_620] : memref<4096x2x4096xf32, #tpu.memory_space<hbm>> -> memref<4x2x4096xf32, #tpu.memory_space<hbm>>
    %dma_wait3A_622 = arith.constant 0 : i32
    %dma_wait3A_623 = arith.constant 0 : i32
    %dma_wait3A_624 = tpu.memref_slice %arg2[%add3A_618, %dma_wait3A_622, %dma_wait3A_623] : memref<4096x2x4096xf32, #tpu.memory_space<hbm>> -> memref<4x2x4096xf32, #tpu.memory_space<hbm>>
    tpu.wait_dma2 semaphore(%arg8 : memref<!tpu.dma_semaphore, #tpu.memory_space<semaphore_mem>>) src(%dma_wait3A_624 : memref<4x2x4096xf32, #tpu.memory_space<hbm>>) dst(%arg5 : memref<4x2x4096xf32, #tpu.memory_space<vmem>>)
    %add3A_625 = arith.constant 76 : i32
    %add3A_626 = arith.addi %mul3A_2, %add3A_625 : i32
    %dma_start3A_627 = arith.constant 0 : i32
    %dma_start3A_628 = arith.constant 0 : i32
    %dma_start3A_629 = tpu.memref_slice %arg3[%add3A_626, %dma_start3A_627, %dma_start3A_628] : memref<4096x2x4096xf32, #tpu.memory_space<hbm>> -> memref<4x2x4096xf32, #tpu.memory_space<hbm>>
    %dma_start3A_630 = arith.constant 0 : i32
    %dma_start3A_631 = arith.constant 0 : i32
    %dma_start3A_632 = tpu.memref_slice %arg3[%add3A_626, %dma_start3A_630, %dma_start3A_631] : memref<4096x2x4096xf32, #tpu.memory_space<hbm>> -> memref<4x2x4096xf32, #tpu.memory_space<hbm>>
    tpu.enqueue_dma source(%arg5 : memref<4x2x4096xf32, #tpu.memory_space<vmem>>) target(%dma_start3A_632 : memref<4x2x4096xf32, #tpu.memory_space<hbm>>) target_semaphore(%arg11 : memref<!tpu.dma_semaphore, #tpu.memory_space<semaphore_mem>>)
    %add3A_633 = arith.constant 72 : i32
    %add3A_634 = arith.addi %mul3A_2, %add3A_633 : i32
    %dma_wait3A_635 = arith.constant 0 : i32
    %dma_wait3A_636 = arith.constant 0 : i32
    %dma_wait3A_637 = tpu.memref_slice %arg3[%add3A_634, %dma_wait3A_635, %dma_wait3A_636] : memref<4096x2x4096xf32, #tpu.memory_space<hbm>> -> memref<4x2x4096xf32, #tpu.memory_space<hbm>>
    %dma_wait3A_638 = arith.constant 0 : i32
    %dma_wait3A_639 = arith.constant 0 : i32
    %dma_wait3A_640 = tpu.memref_slice %arg3[%add3A_634, %dma_wait3A_638, %dma_wait3A_639] : memref<4096x2x4096xf32, #tpu.memory_space<hbm>> -> memref<4x2x4096xf32, #tpu.memory_space<hbm>>
    tpu.wait_dma2 semaphore(%arg10 : memref<!tpu.dma_semaphore, #tpu.memory_space<semaphore_mem>>) src(%arg4 : memref<4x2x4096xf32, #tpu.memory_space<vmem>>) dst(%dma_wait3A_640 : memref<4x2x4096xf32, #tpu.memory_space<hbm>>)
    %add3A_641 = arith.constant 84 : i32
    %add3A_642 = arith.addi %mul3A_2, %add3A_641 : i32
    %dma_start3A_643 = arith.constant 0 : i32
    %dma_start3A_644 = arith.constant 0 : i32
    %dma_start3A_645 = tpu.memref_slice %arg2[%add3A_642, %dma_start3A_643, %dma_start3A_644] : memref<4096x2x4096xf32, #tpu.memory_space<hbm>> -> memref<4x2x4096xf32, #tpu.memory_space<hbm>>
    %dma_start3A_646 = arith.constant 0 : i32
    %dma_start3A_647 = arith.constant 0 : i32
    %dma_start3A_648 = tpu.memref_slice %arg2[%add3A_642, %dma_start3A_646, %dma_start3A_647] : memref<4096x2x4096xf32, #tpu.memory_space<hbm>> -> memref<4x2x4096xf32, #tpu.memory_space<hbm>>
    tpu.enqueue_dma source(%dma_start3A_648 : memref<4x2x4096xf32, #tpu.memory_space<hbm>>) target(%arg4 : memref<4x2x4096xf32, #tpu.memory_space<vmem>>) target_semaphore(%arg7 : memref<!tpu.dma_semaphore, #tpu.memory_space<semaphore_mem>>)
    %add3A_649 = arith.constant 80 : i32
    %add3A_650 = arith.addi %mul3A_2, %add3A_649 : i32
    %dma_wait3A_651 = arith.constant 0 : i32
    %dma_wait3A_652 = arith.constant 0 : i32
    %dma_wait3A_653 = tpu.memref_slice %arg2[%add3A_650, %dma_wait3A_651, %dma_wait3A_652] : memref<4096x2x4096xf32, #tpu.memory_space<hbm>> -> memref<4x2x4096xf32, #tpu.memory_space<hbm>>
    %dma_wait3A_654 = arith.constant 0 : i32
    %dma_wait3A_655 = arith.constant 0 : i32
    %dma_wait3A_656 = tpu.memref_slice %arg2[%add3A_650, %dma_wait3A_654, %dma_wait3A_655] : memref<4096x2x4096xf32, #tpu.memory_space<hbm>> -> memref<4x2x4096xf32, #tpu.memory_space<hbm>>
    tpu.wait_dma2 semaphore(%arg9 : memref<!tpu.dma_semaphore, #tpu.memory_space<semaphore_mem>>) src(%dma_wait3A_656 : memref<4x2x4096xf32, #tpu.memory_space<hbm>>) dst(%arg6 : memref<4x2x4096xf32, #tpu.memory_space<vmem>>)
    %add3A_657 = arith.constant 80 : i32
    %add3A_658 = arith.addi %mul3A_2, %add3A_657 : i32
    %dma_start3A_659 = arith.constant 0 : i32
    %dma_start3A_660 = arith.constant 0 : i32
    %dma_start3A_661 = tpu.memref_slice %arg3[%add3A_658, %dma_start3A_659, %dma_start3A_660] : memref<4096x2x4096xf32, #tpu.memory_space<hbm>> -> memref<4x2x4096xf32, #tpu.memory_space<hbm>>
    %dma_start3A_662 = arith.constant 0 : i32
    %dma_start3A_663 = arith.constant 0 : i32
    %dma_start3A_664 = tpu.memref_slice %arg3[%add3A_658, %dma_start3A_662, %dma_start3A_663] : memref<4096x2x4096xf32, #tpu.memory_space<hbm>> -> memref<4x2x4096xf32, #tpu.memory_space<hbm>>
    tpu.enqueue_dma source(%arg6 : memref<4x2x4096xf32, #tpu.memory_space<vmem>>) target(%dma_start3A_664 : memref<4x2x4096xf32, #tpu.memory_space<hbm>>) target_semaphore(%arg12 : memref<!tpu.dma_semaphore, #tpu.memory_space<semaphore_mem>>)
    %add3A_665 = arith.constant 76 : i32
    %add3A_666 = arith.addi %mul3A_2, %add3A_665 : i32
    %dma_wait3A_667 = arith.constant 0 : i32
    %dma_wait3A_668 = arith.constant 0 : i32
    %dma_wait3A_669 = tpu.memref_slice %arg3[%add3A_666, %dma_wait3A_667, %dma_wait3A_668] : memref<4096x2x4096xf32, #tpu.memory_space<hbm>> -> memref<4x2x4096xf32, #tpu.memory_space<hbm>>
    %dma_wait3A_670 = arith.constant 0 : i32
    %dma_wait3A_671 = arith.constant 0 : i32
    %dma_wait3A_672 = tpu.memref_slice %arg3[%add3A_666, %dma_wait3A_670, %dma_wait3A_671] : memref<4096x2x4096xf32, #tpu.memory_space<hbm>> -> memref<4x2x4096xf32, #tpu.memory_space<hbm>>
    tpu.wait_dma2 semaphore(%arg11 : memref<!tpu.dma_semaphore, #tpu.memory_space<semaphore_mem>>) src(%arg5 : memref<4x2x4096xf32, #tpu.memory_space<vmem>>) dst(%dma_wait3A_672 : memref<4x2x4096xf32, #tpu.memory_space<hbm>>)
    %add3A_673 = arith.constant 88 : i32
    %add3A_674 = arith.addi %mul3A_2, %add3A_673 : i32
    %dma_start3A_675 = arith.constant 0 : i32
    %dma_start3A_676 = arith.constant 0 : i32
    %dma_start3A_677 = tpu.memref_slice %arg2[%add3A_674, %dma_start3A_675, %dma_start3A_676] : memref<4096x2x4096xf32, #tpu.memory_space<hbm>> -> memref<4x2x4096xf32, #tpu.memory_space<hbm>>
    %dma_start3A_678 = arith.constant 0 : i32
    %dma_start3A_679 = arith.constant 0 : i32
    %dma_start3A_680 = tpu.memref_slice %arg2[%add3A_674, %dma_start3A_678, %dma_start3A_679] : memref<4096x2x4096xf32, #tpu.memory_space<hbm>> -> memref<4x2x4096xf32, #tpu.memory_space<hbm>>
    tpu.enqueue_dma source(%dma_start3A_680 : memref<4x2x4096xf32, #tpu.memory_space<hbm>>) target(%arg5 : memref<4x2x4096xf32, #tpu.memory_space<vmem>>) target_semaphore(%arg8 : memref<!tpu.dma_semaphore, #tpu.memory_space<semaphore_mem>>)
    %add3A_681 = arith.constant 84 : i32
    %add3A_682 = arith.addi %mul3A_2, %add3A_681 : i32
    %dma_wait3A_683 = arith.constant 0 : i32
    %dma_wait3A_684 = arith.constant 0 : i32
    %dma_wait3A_685 = tpu.memref_slice %arg2[%add3A_682, %dma_wait3A_683, %dma_wait3A_684] : memref<4096x2x4096xf32, #tpu.memory_space<hbm>> -> memref<4x2x4096xf32, #tpu.memory_space<hbm>>
    %dma_wait3A_686 = arith.constant 0 : i32
    %dma_wait3A_687 = arith.constant 0 : i32
    %dma_wait3A_688 = tpu.memref_slice %arg2[%add3A_682, %dma_wait3A_686, %dma_wait3A_687] : memref<4096x2x4096xf32, #tpu.memory_space<hbm>> -> memref<4x2x4096xf32, #tpu.memory_space<hbm>>
    tpu.wait_dma2 semaphore(%arg7 : memref<!tpu.dma_semaphore, #tpu.memory_space<semaphore_mem>>) src(%dma_wait3A_688 : memref<4x2x4096xf32, #tpu.memory_space<hbm>>) dst(%arg4 : memref<4x2x4096xf32, #tpu.memory_space<vmem>>)
    %add3A_689 = arith.constant 84 : i32
    %add3A_690 = arith.addi %mul3A_2, %add3A_689 : i32
    %dma_start3A_691 = arith.constant 0 : i32
    %dma_start3A_692 = arith.constant 0 : i32
    %dma_start3A_693 = tpu.memref_slice %arg3[%add3A_690, %dma_start3A_691, %dma_start3A_692] : memref<4096x2x4096xf32, #tpu.memory_space<hbm>> -> memref<4x2x4096xf32, #tpu.memory_space<hbm>>
    %dma_start3A_694 = arith.constant 0 : i32
    %dma_start3A_695 = arith.constant 0 : i32
    %dma_start3A_696 = tpu.memref_slice %arg3[%add3A_690, %dma_start3A_694, %dma_start3A_695] : memref<4096x2x4096xf32, #tpu.memory_space<hbm>> -> memref<4x2x4096xf32, #tpu.memory_space<hbm>>
    tpu.enqueue_dma source(%arg4 : memref<4x2x4096xf32, #tpu.memory_space<vmem>>) target(%dma_start3A_696 : memref<4x2x4096xf32, #tpu.memory_space<hbm>>) target_semaphore(%arg10 : memref<!tpu.dma_semaphore, #tpu.memory_space<semaphore_mem>>)
    %add3A_697 = arith.constant 80 : i32
    %add3A_698 = arith.addi %mul3A_2, %add3A_697 : i32
    %dma_wait3A_699 = arith.constant 0 : i32
    %dma_wait3A_700 = arith.constant 0 : i32
    %dma_wait3A_701 = tpu.memref_slice %arg3[%add3A_698, %dma_wait3A_699, %dma_wait3A_700] : memref<4096x2x4096xf32, #tpu.memory_space<hbm>> -> memref<4x2x4096xf32, #tpu.memory_space<hbm>>
    %dma_wait3A_702 = arith.constant 0 : i32
    %dma_wait3A_703 = arith.constant 0 : i32
    %dma_wait3A_704 = tpu.memref_slice %arg3[%add3A_698, %dma_wait3A_702, %dma_wait3A_703] : memref<4096x2x4096xf32, #tpu.memory_space<hbm>> -> memref<4x2x4096xf32, #tpu.memory_space<hbm>>
    tpu.wait_dma2 semaphore(%arg12 : memref<!tpu.dma_semaphore, #tpu.memory_space<semaphore_mem>>) src(%arg6 : memref<4x2x4096xf32, #tpu.memory_space<vmem>>) dst(%dma_wait3A_704 : memref<4x2x4096xf32, #tpu.memory_space<hbm>>)
    %add3A_705 = arith.constant 92 : i32
    %add3A_706 = arith.addi %mul3A_2, %add3A_705 : i32
    %dma_start3A_707 = arith.constant 0 : i32
    %dma_start3A_708 = arith.constant 0 : i32
    %dma_start3A_709 = tpu.memref_slice %arg2[%add3A_706, %dma_start3A_707, %dma_start3A_708] : memref<4096x2x4096xf32, #tpu.memory_space<hbm>> -> memref<4x2x4096xf32, #tpu.memory_space<hbm>>
    %dma_start3A_710 = arith.constant 0 : i32
    %dma_start3A_711 = arith.constant 0 : i32
    %dma_start3A_712 = tpu.memref_slice %arg2[%add3A_706, %dma_start3A_710, %dma_start3A_711] : memref<4096x2x4096xf32, #tpu.memory_space<hbm>> -> memref<4x2x4096xf32, #tpu.memory_space<hbm>>
    tpu.enqueue_dma source(%dma_start3A_712 : memref<4x2x4096xf32, #tpu.memory_space<hbm>>) target(%arg6 : memref<4x2x4096xf32, #tpu.memory_space<vmem>>) target_semaphore(%arg9 : memref<!tpu.dma_semaphore, #tpu.memory_space<semaphore_mem>>)
    %add3A_713 = arith.constant 88 : i32
    %add3A_714 = arith.addi %mul3A_2, %add3A_713 : i32
    %dma_wait3A_715 = arith.constant 0 : i32
    %dma_wait3A_716 = arith.constant 0 : i32
    %dma_wait3A_717 = tpu.memref_slice %arg2[%add3A_714, %dma_wait3A_715, %dma_wait3A_716] : memref<4096x2x4096xf32, #tpu.memory_space<hbm>> -> memref<4x2x4096xf32, #tpu.memory_space<hbm>>
    %dma_wait3A_718 = arith.constant 0 : i32
    %dma_wait3A_719 = arith.constant 0 : i32
    %dma_wait3A_720 = tpu.memref_slice %arg2[%add3A_714, %dma_wait3A_718, %dma_wait3A_719] : memref<4096x2x4096xf32, #tpu.memory_space<hbm>> -> memref<4x2x4096xf32, #tpu.memory_space<hbm>>
    tpu.wait_dma2 semaphore(%arg8 : memref<!tpu.dma_semaphore, #tpu.memory_space<semaphore_mem>>) src(%dma_wait3A_720 : memref<4x2x4096xf32, #tpu.memory_space<hbm>>) dst(%arg5 : memref<4x2x4096xf32, #tpu.memory_space<vmem>>)
    %add3A_721 = arith.constant 88 : i32
    %add3A_722 = arith.addi %mul3A_2, %add3A_721 : i32
    %dma_start3A_723 = arith.constant 0 : i32
    %dma_start3A_724 = arith.constant 0 : i32
    %dma_start3A_725 = tpu.memref_slice %arg3[%add3A_722, %dma_start3A_723, %dma_start3A_724] : memref<4096x2x4096xf32, #tpu.memory_space<hbm>> -> memref<4x2x4096xf32, #tpu.memory_space<hbm>>
    %dma_start3A_726 = arith.constant 0 : i32
    %dma_start3A_727 = arith.constant 0 : i32
    %dma_start3A_728 = tpu.memref_slice %arg3[%add3A_722, %dma_start3A_726, %dma_start3A_727] : memref<4096x2x4096xf32, #tpu.memory_space<hbm>> -> memref<4x2x4096xf32, #tpu.memory_space<hbm>>
    tpu.enqueue_dma source(%arg5 : memref<4x2x4096xf32, #tpu.memory_space<vmem>>) target(%dma_start3A_728 : memref<4x2x4096xf32, #tpu.memory_space<hbm>>) target_semaphore(%arg11 : memref<!tpu.dma_semaphore, #tpu.memory_space<semaphore_mem>>)
    %add3A_729 = arith.constant 84 : i32
    %add3A_730 = arith.addi %mul3A_2, %add3A_729 : i32
    %dma_wait3A_731 = arith.constant 0 : i32
    %dma_wait3A_732 = arith.constant 0 : i32
    %dma_wait3A_733 = tpu.memref_slice %arg3[%add3A_730, %dma_wait3A_731, %dma_wait3A_732] : memref<4096x2x4096xf32, #tpu.memory_space<hbm>> -> memref<4x2x4096xf32, #tpu.memory_space<hbm>>
    %dma_wait3A_734 = arith.constant 0 : i32
    %dma_wait3A_735 = arith.constant 0 : i32
    %dma_wait3A_736 = tpu.memref_slice %arg3[%add3A_730, %dma_wait3A_734, %dma_wait3A_735] : memref<4096x2x4096xf32, #tpu.memory_space<hbm>> -> memref<4x2x4096xf32, #tpu.memory_space<hbm>>
    tpu.wait_dma2 semaphore(%arg10 : memref<!tpu.dma_semaphore, #tpu.memory_space<semaphore_mem>>) src(%arg4 : memref<4x2x4096xf32, #tpu.memory_space<vmem>>) dst(%dma_wait3A_736 : memref<4x2x4096xf32, #tpu.memory_space<hbm>>)
    %add3A_737 = arith.constant 96 : i32
    %add3A_738 = arith.addi %mul3A_2, %add3A_737 : i32
    %dma_start3A_739 = arith.constant 0 : i32
    %dma_start3A_740 = arith.constant 0 : i32
    %dma_start3A_741 = tpu.memref_slice %arg2[%add3A_738, %dma_start3A_739, %dma_start3A_740] : memref<4096x2x4096xf32, #tpu.memory_space<hbm>> -> memref<4x2x4096xf32, #tpu.memory_space<hbm>>
    %dma_start3A_742 = arith.constant 0 : i32
    %dma_start3A_743 = arith.constant 0 : i32
    %dma_start3A_744 = tpu.memref_slice %arg2[%add3A_738, %dma_start3A_742, %dma_start3A_743] : memref<4096x2x4096xf32, #tpu.memory_space<hbm>> -> memref<4x2x4096xf32, #tpu.memory_space<hbm>>
    tpu.enqueue_dma source(%dma_start3A_744 : memref<4x2x4096xf32, #tpu.memory_space<hbm>>) target(%arg4 : memref<4x2x4096xf32, #tpu.memory_space<vmem>>) target_semaphore(%arg7 : memref<!tpu.dma_semaphore, #tpu.memory_space<semaphore_mem>>)
    %add3A_745 = arith.constant 92 : i32
    %add3A_746 = arith.addi %mul3A_2, %add3A_745 : i32
    %dma_wait3A_747 = arith.constant 0 : i32
    %dma_wait3A_748 = arith.constant 0 : i32
    %dma_wait3A_749 = tpu.memref_slice %arg2[%add3A_746, %dma_wait3A_747, %dma_wait3A_748] : memref<4096x2x4096xf32, #tpu.memory_space<hbm>> -> memref<4x2x4096xf32, #tpu.memory_space<hbm>>
    %dma_wait3A_750 = arith.constant 0 : i32
    %dma_wait3A_751 = arith.constant 0 : i32
    %dma_wait3A_752 = tpu.memref_slice %arg2[%add3A_746, %dma_wait3A_750, %dma_wait3A_751] : memref<4096x2x4096xf32, #tpu.memory_space<hbm>> -> memref<4x2x4096xf32, #tpu.memory_space<hbm>>
    tpu.wait_dma2 semaphore(%arg9 : memref<!tpu.dma_semaphore, #tpu.memory_space<semaphore_mem>>) src(%dma_wait3A_752 : memref<4x2x4096xf32, #tpu.memory_space<hbm>>) dst(%arg6 : memref<4x2x4096xf32, #tpu.memory_space<vmem>>)
    %add3A_753 = arith.constant 92 : i32
    %add3A_754 = arith.addi %mul3A_2, %add3A_753 : i32
    %dma_start3A_755 = arith.constant 0 : i32
    %dma_start3A_756 = arith.constant 0 : i32
    %dma_start3A_757 = tpu.memref_slice %arg3[%add3A_754, %dma_start3A_755, %dma_start3A_756] : memref<4096x2x4096xf32, #tpu.memory_space<hbm>> -> memref<4x2x4096xf32, #tpu.memory_space<hbm>>
    %dma_start3A_758 = arith.constant 0 : i32
    %dma_start3A_759 = arith.constant 0 : i32
    %dma_start3A_760 = tpu.memref_slice %arg3[%add3A_754, %dma_start3A_758, %dma_start3A_759] : memref<4096x2x4096xf32, #tpu.memory_space<hbm>> -> memref<4x2x4096xf32, #tpu.memory_space<hbm>>
    tpu.enqueue_dma source(%arg6 : memref<4x2x4096xf32, #tpu.memory_space<vmem>>) target(%dma_start3A_760 : memref<4x2x4096xf32, #tpu.memory_space<hbm>>) target_semaphore(%arg12 : memref<!tpu.dma_semaphore, #tpu.memory_space<semaphore_mem>>)
    %add3A_761 = arith.constant 88 : i32
    %add3A_762 = arith.addi %mul3A_2, %add3A_761 : i32
    %dma_wait3A_763 = arith.constant 0 : i32
    %dma_wait3A_764 = arith.constant 0 : i32
    %dma_wait3A_765 = tpu.memref_slice %arg3[%add3A_762, %dma_wait3A_763, %dma_wait3A_764] : memref<4096x2x4096xf32, #tpu.memory_space<hbm>> -> memref<4x2x4096xf32, #tpu.memory_space<hbm>>
    %dma_wait3A_766 = arith.constant 0 : i32
    %dma_wait3A_767 = arith.constant 0 : i32
    %dma_wait3A_768 = tpu.memref_slice %arg3[%add3A_762, %dma_wait3A_766, %dma_wait3A_767] : memref<4096x2x4096xf32, #tpu.memory_space<hbm>> -> memref<4x2x4096xf32, #tpu.memory_space<hbm>>
    tpu.wait_dma2 semaphore(%arg11 : memref<!tpu.dma_semaphore, #tpu.memory_space<semaphore_mem>>) src(%arg5 : memref<4x2x4096xf32, #tpu.memory_space<vmem>>) dst(%dma_wait3A_768 : memref<4x2x4096xf32, #tpu.memory_space<hbm>>)
    %add3A_769 = arith.constant 100 : i32
    %add3A_770 = arith.addi %mul3A_2, %add3A_769 : i32
    %dma_start3A_771 = arith.constant 0 : i32
    %dma_start3A_772 = arith.constant 0 : i32
    %dma_start3A_773 = tpu.memref_slice %arg2[%add3A_770, %dma_start3A_771, %dma_start3A_772] : memref<4096x2x4096xf32, #tpu.memory_space<hbm>> -> memref<4x2x4096xf32, #tpu.memory_space<hbm>>
    %dma_start3A_774 = arith.constant 0 : i32
    %dma_start3A_775 = arith.constant 0 : i32
    %dma_start3A_776 = tpu.memref_slice %arg2[%add3A_770, %dma_start3A_774, %dma_start3A_775] : memref<4096x2x4096xf32, #tpu.memory_space<hbm>> -> memref<4x2x4096xf32, #tpu.memory_space<hbm>>
    tpu.enqueue_dma source(%dma_start3A_776 : memref<4x2x4096xf32, #tpu.memory_space<hbm>>) target(%arg5 : memref<4x2x4096xf32, #tpu.memory_space<vmem>>) target_semaphore(%arg8 : memref<!tpu.dma_semaphore, #tpu.memory_space<semaphore_mem>>)
    %add3A_777 = arith.constant 96 : i32
    %add3A_778 = arith.addi %mul3A_2, %add3A_777 : i32
    %dma_wait3A_779 = arith.constant 0 : i32
    %dma_wait3A_780 = arith.constant 0 : i32
    %dma_wait3A_781 = tpu.memref_slice %arg2[%add3A_778, %dma_wait3A_779, %dma_wait3A_780] : memref<4096x2x4096xf32, #tpu.memory_space<hbm>> -> memref<4x2x4096xf32, #tpu.memory_space<hbm>>
    %dma_wait3A_782 = arith.constant 0 : i32
    %dma_wait3A_783 = arith.constant 0 : i32
    %dma_wait3A_784 = tpu.memref_slice %arg2[%add3A_778, %dma_wait3A_782, %dma_wait3A_783] : memref<4096x2x4096xf32, #tpu.memory_space<hbm>> -> memref<4x2x4096xf32, #tpu.memory_space<hbm>>
    tpu.wait_dma2 semaphore(%arg7 : memref<!tpu.dma_semaphore, #tpu.memory_space<semaphore_mem>>) src(%dma_wait3A_784 : memref<4x2x4096xf32, #tpu.memory_space<hbm>>) dst(%arg4 : memref<4x2x4096xf32, #tpu.memory_space<vmem>>)
    %add3A_785 = arith.constant 96 : i32
    %add3A_786 = arith.addi %mul3A_2, %add3A_785 : i32
    %dma_start3A_787 = arith.constant 0 : i32
    %dma_start3A_788 = arith.constant 0 : i32
    %dma_start3A_789 = tpu.memref_slice %arg3[%add3A_786, %dma_start3A_787, %dma_start3A_788] : memref<4096x2x4096xf32, #tpu.memory_space<hbm>> -> memref<4x2x4096xf32, #tpu.memory_space<hbm>>
    %dma_start3A_790 = arith.constant 0 : i32
    %dma_start3A_791 = arith.constant 0 : i32
    %dma_start3A_792 = tpu.memref_slice %arg3[%add3A_786, %dma_start3A_790, %dma_start3A_791] : memref<4096x2x4096xf32, #tpu.memory_space<hbm>> -> memref<4x2x4096xf32, #tpu.memory_space<hbm>>
    tpu.enqueue_dma source(%arg4 : memref<4x2x4096xf32, #tpu.memory_space<vmem>>) target(%dma_start3A_792 : memref<4x2x4096xf32, #tpu.memory_space<hbm>>) target_semaphore(%arg10 : memref<!tpu.dma_semaphore, #tpu.memory_space<semaphore_mem>>)
    %add3A_793 = arith.constant 92 : i32
    %add3A_794 = arith.addi %mul3A_2, %add3A_793 : i32
    %dma_wait3A_795 = arith.constant 0 : i32
    %dma_wait3A_796 = arith.constant 0 : i32
    %dma_wait3A_797 = tpu.memref_slice %arg3[%add3A_794, %dma_wait3A_795, %dma_wait3A_796] : memref<4096x2x4096xf32, #tpu.memory_space<hbm>> -> memref<4x2x4096xf32, #tpu.memory_space<hbm>>
    %dma_wait3A_798 = arith.constant 0 : i32
    %dma_wait3A_799 = arith.constant 0 : i32
    %dma_wait3A_800 = tpu.memref_slice %arg3[%add3A_794, %dma_wait3A_798, %dma_wait3A_799] : memref<4096x2x4096xf32, #tpu.memory_space<hbm>> -> memref<4x2x4096xf32, #tpu.memory_space<hbm>>
    tpu.wait_dma2 semaphore(%arg12 : memref<!tpu.dma_semaphore, #tpu.memory_space<semaphore_mem>>) src(%arg6 : memref<4x2x4096xf32, #tpu.memory_space<vmem>>) dst(%dma_wait3A_800 : memref<4x2x4096xf32, #tpu.memory_space<hbm>>)
    %add3A_801 = arith.constant 104 : i32
    %add3A_802 = arith.addi %mul3A_2, %add3A_801 : i32
    %dma_start3A_803 = arith.constant 0 : i32
    %dma_start3A_804 = arith.constant 0 : i32
    %dma_start3A_805 = tpu.memref_slice %arg2[%add3A_802, %dma_start3A_803, %dma_start3A_804] : memref<4096x2x4096xf32, #tpu.memory_space<hbm>> -> memref<4x2x4096xf32, #tpu.memory_space<hbm>>
    %dma_start3A_806 = arith.constant 0 : i32
    %dma_start3A_807 = arith.constant 0 : i32
    %dma_start3A_808 = tpu.memref_slice %arg2[%add3A_802, %dma_start3A_806, %dma_start3A_807] : memref<4096x2x4096xf32, #tpu.memory_space<hbm>> -> memref<4x2x4096xf32, #tpu.memory_space<hbm>>
    tpu.enqueue_dma source(%dma_start3A_808 : memref<4x2x4096xf32, #tpu.memory_space<hbm>>) target(%arg6 : memref<4x2x4096xf32, #tpu.memory_space<vmem>>) target_semaphore(%arg9 : memref<!tpu.dma_semaphore, #tpu.memory_space<semaphore_mem>>)
    %add3A_809 = arith.constant 100 : i32
    %add3A_810 = arith.addi %mul3A_2, %add3A_809 : i32
    %dma_wait3A_811 = arith.constant 0 : i32
    %dma_wait3A_812 = arith.constant 0 : i32
    %dma_wait3A_813 = tpu.memref_slice %arg2[%add3A_810, %dma_wait3A_811, %dma_wait3A_812] : memref<4096x2x4096xf32, #tpu.memory_space<hbm>> -> memref<4x2x4096xf32, #tpu.memory_space<hbm>>
    %dma_wait3A_814 = arith.constant 0 : i32
    %dma_wait3A_815 = arith.constant 0 : i32
    %dma_wait3A_816 = tpu.memref_slice %arg2[%add3A_810, %dma_wait3A_814, %dma_wait3A_815] : memref<4096x2x4096xf32, #tpu.memory_space<hbm>> -> memref<4x2x4096xf32, #tpu.memory_space<hbm>>
    tpu.wait_dma2 semaphore(%arg8 : memref<!tpu.dma_semaphore, #tpu.memory_space<semaphore_mem>>) src(%dma_wait3A_816 : memref<4x2x4096xf32, #tpu.memory_space<hbm>>) dst(%arg5 : memref<4x2x4096xf32, #tpu.memory_space<vmem>>)
    %add3A_817 = arith.constant 100 : i32
    %add3A_818 = arith.addi %mul3A_2, %add3A_817 : i32
    %dma_start3A_819 = arith.constant 0 : i32
    %dma_start3A_820 = arith.constant 0 : i32
    %dma_start3A_821 = tpu.memref_slice %arg3[%add3A_818, %dma_start3A_819, %dma_start3A_820] : memref<4096x2x4096xf32, #tpu.memory_space<hbm>> -> memref<4x2x4096xf32, #tpu.memory_space<hbm>>
    %dma_start3A_822 = arith.constant 0 : i32
    %dma_start3A_823 = arith.constant 0 : i32
    %dma_start3A_824 = tpu.memref_slice %arg3[%add3A_818, %dma_start3A_822, %dma_start3A_823] : memref<4096x2x4096xf32, #tpu.memory_space<hbm>> -> memref<4x2x4096xf32, #tpu.memory_space<hbm>>
    tpu.enqueue_dma source(%arg5 : memref<4x2x4096xf32, #tpu.memory_space<vmem>>) target(%dma_start3A_824 : memref<4x2x4096xf32, #tpu.memory_space<hbm>>) target_semaphore(%arg11 : memref<!tpu.dma_semaphore, #tpu.memory_space<semaphore_mem>>)
    %add3A_825 = arith.constant 96 : i32
    %add3A_826 = arith.addi %mul3A_2, %add3A_825 : i32
    %dma_wait3A_827 = arith.constant 0 : i32
    %dma_wait3A_828 = arith.constant 0 : i32
    %dma_wait3A_829 = tpu.memref_slice %arg3[%add3A_826, %dma_wait3A_827, %dma_wait3A_828] : memref<4096x2x4096xf32, #tpu.memory_space<hbm>> -> memref<4x2x4096xf32, #tpu.memory_space<hbm>>
    %dma_wait3A_830 = arith.constant 0 : i32
    %dma_wait3A_831 = arith.constant 0 : i32
    %dma_wait3A_832 = tpu.memref_slice %arg3[%add3A_826, %dma_wait3A_830, %dma_wait3A_831] : memref<4096x2x4096xf32, #tpu.memory_space<hbm>> -> memref<4x2x4096xf32, #tpu.memory_space<hbm>>
    tpu.wait_dma2 semaphore(%arg10 : memref<!tpu.dma_semaphore, #tpu.memory_space<semaphore_mem>>) src(%arg4 : memref<4x2x4096xf32, #tpu.memory_space<vmem>>) dst(%dma_wait3A_832 : memref<4x2x4096xf32, #tpu.memory_space<hbm>>)
    %add3A_833 = arith.constant 108 : i32
    %add3A_834 = arith.addi %mul3A_2, %add3A_833 : i32
    %dma_start3A_835 = arith.constant 0 : i32
    %dma_start3A_836 = arith.constant 0 : i32
    %dma_start3A_837 = tpu.memref_slice %arg2[%add3A_834, %dma_start3A_835, %dma_start3A_836] : memref<4096x2x4096xf32, #tpu.memory_space<hbm>> -> memref<4x2x4096xf32, #tpu.memory_space<hbm>>
    %dma_start3A_838 = arith.constant 0 : i32
    %dma_start3A_839 = arith.constant 0 : i32
    %dma_start3A_840 = tpu.memref_slice %arg2[%add3A_834, %dma_start3A_838, %dma_start3A_839] : memref<4096x2x4096xf32, #tpu.memory_space<hbm>> -> memref<4x2x4096xf32, #tpu.memory_space<hbm>>
    tpu.enqueue_dma source(%dma_start3A_840 : memref<4x2x4096xf32, #tpu.memory_space<hbm>>) target(%arg4 : memref<4x2x4096xf32, #tpu.memory_space<vmem>>) target_semaphore(%arg7 : memref<!tpu.dma_semaphore, #tpu.memory_space<semaphore_mem>>)
    %add3A_841 = arith.constant 104 : i32
    %add3A_842 = arith.addi %mul3A_2, %add3A_841 : i32
    %dma_wait3A_843 = arith.constant 0 : i32
    %dma_wait3A_844 = arith.constant 0 : i32
    %dma_wait3A_845 = tpu.memref_slice %arg2[%add3A_842, %dma_wait3A_843, %dma_wait3A_844] : memref<4096x2x4096xf32, #tpu.memory_space<hbm>> -> memref<4x2x4096xf32, #tpu.memory_space<hbm>>
    %dma_wait3A_846 = arith.constant 0 : i32
    %dma_wait3A_847 = arith.constant 0 : i32
    %dma_wait3A_848 = tpu.memref_slice %arg2[%add3A_842, %dma_wait3A_846, %dma_wait3A_847] : memref<4096x2x4096xf32, #tpu.memory_space<hbm>> -> memref<4x2x4096xf32, #tpu.memory_space<hbm>>
    tpu.wait_dma2 semaphore(%arg9 : memref<!tpu.dma_semaphore, #tpu.memory_space<semaphore_mem>>) src(%dma_wait3A_848 : memref<4x2x4096xf32, #tpu.memory_space<hbm>>) dst(%arg6 : memref<4x2x4096xf32, #tpu.memory_space<vmem>>)
    %add3A_849 = arith.constant 104 : i32
    %add3A_850 = arith.addi %mul3A_2, %add3A_849 : i32
    %dma_start3A_851 = arith.constant 0 : i32
    %dma_start3A_852 = arith.constant 0 : i32
    %dma_start3A_853 = tpu.memref_slice %arg3[%add3A_850, %dma_start3A_851, %dma_start3A_852] : memref<4096x2x4096xf32, #tpu.memory_space<hbm>> -> memref<4x2x4096xf32, #tpu.memory_space<hbm>>
    %dma_start3A_854 = arith.constant 0 : i32
    %dma_start3A_855 = arith.constant 0 : i32
    %dma_start3A_856 = tpu.memref_slice %arg3[%add3A_850, %dma_start3A_854, %dma_start3A_855] : memref<4096x2x4096xf32, #tpu.memory_space<hbm>> -> memref<4x2x4096xf32, #tpu.memory_space<hbm>>
    tpu.enqueue_dma source(%arg6 : memref<4x2x4096xf32, #tpu.memory_space<vmem>>) target(%dma_start3A_856 : memref<4x2x4096xf32, #tpu.memory_space<hbm>>) target_semaphore(%arg12 : memref<!tpu.dma_semaphore, #tpu.memory_space<semaphore_mem>>)
    %add3A_857 = arith.constant 100 : i32
    %add3A_858 = arith.addi %mul3A_2, %add3A_857 : i32
    %dma_wait3A_859 = arith.constant 0 : i32
    %dma_wait3A_860 = arith.constant 0 : i32
    %dma_wait3A_861 = tpu.memref_slice %arg3[%add3A_858, %dma_wait3A_859, %dma_wait3A_860] : memref<4096x2x4096xf32, #tpu.memory_space<hbm>> -> memref<4x2x4096xf32, #tpu.memory_space<hbm>>
    %dma_wait3A_862 = arith.constant 0 : i32
    %dma_wait3A_863 = arith.constant 0 : i32
    %dma_wait3A_864 = tpu.memref_slice %arg3[%add3A_858, %dma_wait3A_862, %dma_wait3A_863] : memref<4096x2x4096xf32, #tpu.memory_space<hbm>> -> memref<4x2x4096xf32, #tpu.memory_space<hbm>>
    tpu.wait_dma2 semaphore(%arg11 : memref<!tpu.dma_semaphore, #tpu.memory_space<semaphore_mem>>) src(%arg5 : memref<4x2x4096xf32, #tpu.memory_space<vmem>>) dst(%dma_wait3A_864 : memref<4x2x4096xf32, #tpu.memory_space<hbm>>)
    %add3A_865 = arith.constant 112 : i32
    %add3A_866 = arith.addi %mul3A_2, %add3A_865 : i32
    %dma_start3A_867 = arith.constant 0 : i32
    %dma_start3A_868 = arith.constant 0 : i32
    %dma_start3A_869 = tpu.memref_slice %arg2[%add3A_866, %dma_start3A_867, %dma_start3A_868] : memref<4096x2x4096xf32, #tpu.memory_space<hbm>> -> memref<4x2x4096xf32, #tpu.memory_space<hbm>>
    %dma_start3A_870 = arith.constant 0 : i32
    %dma_start3A_871 = arith.constant 0 : i32
    %dma_start3A_872 = tpu.memref_slice %arg2[%add3A_866, %dma_start3A_870, %dma_start3A_871] : memref<4096x2x4096xf32, #tpu.memory_space<hbm>> -> memref<4x2x4096xf32, #tpu.memory_space<hbm>>
    tpu.enqueue_dma source(%dma_start3A_872 : memref<4x2x4096xf32, #tpu.memory_space<hbm>>) target(%arg5 : memref<4x2x4096xf32, #tpu.memory_space<vmem>>) target_semaphore(%arg8 : memref<!tpu.dma_semaphore, #tpu.memory_space<semaphore_mem>>)
    %add3A_873 = arith.constant 108 : i32
    %add3A_874 = arith.addi %mul3A_2, %add3A_873 : i32
    %dma_wait3A_875 = arith.constant 0 : i32
    %dma_wait3A_876 = arith.constant 0 : i32
    %dma_wait3A_877 = tpu.memref_slice %arg2[%add3A_874, %dma_wait3A_875, %dma_wait3A_876] : memref<4096x2x4096xf32, #tpu.memory_space<hbm>> -> memref<4x2x4096xf32, #tpu.memory_space<hbm>>
    %dma_wait3A_878 = arith.constant 0 : i32
    %dma_wait3A_879 = arith.constant 0 : i32
    %dma_wait3A_880 = tpu.memref_slice %arg2[%add3A_874, %dma_wait3A_878, %dma_wait3A_879] : memref<4096x2x4096xf32, #tpu.memory_space<hbm>> -> memref<4x2x4096xf32, #tpu.memory_space<hbm>>
    tpu.wait_dma2 semaphore(%arg7 : memref<!tpu.dma_semaphore, #tpu.memory_space<semaphore_mem>>) src(%dma_wait3A_880 : memref<4x2x4096xf32, #tpu.memory_space<hbm>>) dst(%arg4 : memref<4x2x4096xf32, #tpu.memory_space<vmem>>)
    %add3A_881 = arith.constant 108 : i32
    %add3A_882 = arith.addi %mul3A_2, %add3A_881 : i32
    %dma_start3A_883 = arith.constant 0 : i32
    %dma_start3A_884 = arith.constant 0 : i32
    %dma_start3A_885 = tpu.memref_slice %arg3[%add3A_882, %dma_start3A_883, %dma_start3A_884] : memref<4096x2x4096xf32, #tpu.memory_space<hbm>> -> memref<4x2x4096xf32, #tpu.memory_space<hbm>>
    %dma_start3A_886 = arith.constant 0 : i32
    %dma_start3A_887 = arith.constant 0 : i32
    %dma_start3A_888 = tpu.memref_slice %arg3[%add3A_882, %dma_start3A_886, %dma_start3A_887] : memref<4096x2x4096xf32, #tpu.memory_space<hbm>> -> memref<4x2x4096xf32, #tpu.memory_space<hbm>>
    tpu.enqueue_dma source(%arg4 : memref<4x2x4096xf32, #tpu.memory_space<vmem>>) target(%dma_start3A_888 : memref<4x2x4096xf32, #tpu.memory_space<hbm>>) target_semaphore(%arg10 : memref<!tpu.dma_semaphore, #tpu.memory_space<semaphore_mem>>)
    %add3A_889 = arith.constant 104 : i32
    %add3A_890 = arith.addi %mul3A_2, %add3A_889 : i32
    %dma_wait3A_891 = arith.constant 0 : i32
    %dma_wait3A_892 = arith.constant 0 : i32
    %dma_wait3A_893 = tpu.memref_slice %arg3[%add3A_890, %dma_wait3A_891, %dma_wait3A_892] : memref<4096x2x4096xf32, #tpu.memory_space<hbm>> -> memref<4x2x4096xf32, #tpu.memory_space<hbm>>
    %dma_wait3A_894 = arith.constant 0 : i32
    %dma_wait3A_895 = arith.constant 0 : i32
    %dma_wait3A_896 = tpu.memref_slice %arg3[%add3A_890, %dma_wait3A_894, %dma_wait3A_895] : memref<4096x2x4096xf32, #tpu.memory_space<hbm>> -> memref<4x2x4096xf32, #tpu.memory_space<hbm>>
    tpu.wait_dma2 semaphore(%arg12 : memref<!tpu.dma_semaphore, #tpu.memory_space<semaphore_mem>>) src(%arg6 : memref<4x2x4096xf32, #tpu.memory_space<vmem>>) dst(%dma_wait3A_896 : memref<4x2x4096xf32, #tpu.memory_space<hbm>>)
    %add3A_897 = arith.constant 116 : i32
    %add3A_898 = arith.addi %mul3A_2, %add3A_897 : i32
    %dma_start3A_899 = arith.constant 0 : i32
    %dma_start3A_900 = arith.constant 0 : i32
    %dma_start3A_901 = tpu.memref_slice %arg2[%add3A_898, %dma_start3A_899, %dma_start3A_900] : memref<4096x2x4096xf32, #tpu.memory_space<hbm>> -> memref<4x2x4096xf32, #tpu.memory_space<hbm>>
    %dma_start3A_902 = arith.constant 0 : i32
    %dma_start3A_903 = arith.constant 0 : i32
    %dma_start3A_904 = tpu.memref_slice %arg2[%add3A_898, %dma_start3A_902, %dma_start3A_903] : memref<4096x2x4096xf32, #tpu.memory_space<hbm>> -> memref<4x2x4096xf32, #tpu.memory_space<hbm>>
    tpu.enqueue_dma source(%dma_start3A_904 : memref<4x2x4096xf32, #tpu.memory_space<hbm>>) target(%arg6 : memref<4x2x4096xf32, #tpu.memory_space<vmem>>) target_semaphore(%arg9 : memref<!tpu.dma_semaphore, #tpu.memory_space<semaphore_mem>>)
    %add3A_905 = arith.constant 112 : i32
    %add3A_906 = arith.addi %mul3A_2, %add3A_905 : i32
    %dma_wait3A_907 = arith.constant 0 : i32
    %dma_wait3A_908 = arith.constant 0 : i32
    %dma_wait3A_909 = tpu.memref_slice %arg2[%add3A_906, %dma_wait3A_907, %dma_wait3A_908] : memref<4096x2x4096xf32, #tpu.memory_space<hbm>> -> memref<4x2x4096xf32, #tpu.memory_space<hbm>>
    %dma_wait3A_910 = arith.constant 0 : i32
    %dma_wait3A_911 = arith.constant 0 : i32
    %dma_wait3A_912 = tpu.memref_slice %arg2[%add3A_906, %dma_wait3A_910, %dma_wait3A_911] : memref<4096x2x4096xf32, #tpu.memory_space<hbm>> -> memref<4x2x4096xf32, #tpu.memory_space<hbm>>
    tpu.wait_dma2 semaphore(%arg8 : memref<!tpu.dma_semaphore, #tpu.memory_space<semaphore_mem>>) src(%dma_wait3A_912 : memref<4x2x4096xf32, #tpu.memory_space<hbm>>) dst(%arg5 : memref<4x2x4096xf32, #tpu.memory_space<vmem>>)
    %add3A_913 = arith.constant 112 : i32
    %add3A_914 = arith.addi %mul3A_2, %add3A_913 : i32
    %dma_start3A_915 = arith.constant 0 : i32
    %dma_start3A_916 = arith.constant 0 : i32
    %dma_start3A_917 = tpu.memref_slice %arg3[%add3A_914, %dma_start3A_915, %dma_start3A_916] : memref<4096x2x4096xf32, #tpu.memory_space<hbm>> -> memref<4x2x4096xf32, #tpu.memory_space<hbm>>
    %dma_start3A_918 = arith.constant 0 : i32
    %dma_start3A_919 = arith.constant 0 : i32
    %dma_start3A_920 = tpu.memref_slice %arg3[%add3A_914, %dma_start3A_918, %dma_start3A_919] : memref<4096x2x4096xf32, #tpu.memory_space<hbm>> -> memref<4x2x4096xf32, #tpu.memory_space<hbm>>
    tpu.enqueue_dma source(%arg5 : memref<4x2x4096xf32, #tpu.memory_space<vmem>>) target(%dma_start3A_920 : memref<4x2x4096xf32, #tpu.memory_space<hbm>>) target_semaphore(%arg11 : memref<!tpu.dma_semaphore, #tpu.memory_space<semaphore_mem>>)
    %add3A_921 = arith.constant 108 : i32
    %add3A_922 = arith.addi %mul3A_2, %add3A_921 : i32
    %dma_wait3A_923 = arith.constant 0 : i32
    %dma_wait3A_924 = arith.constant 0 : i32
    %dma_wait3A_925 = tpu.memref_slice %arg3[%add3A_922, %dma_wait3A_923, %dma_wait3A_924] : memref<4096x2x4096xf32, #tpu.memory_space<hbm>> -> memref<4x2x4096xf32, #tpu.memory_space<hbm>>
    %dma_wait3A_926 = arith.constant 0 : i32
    %dma_wait3A_927 = arith.constant 0 : i32
    %dma_wait3A_928 = tpu.memref_slice %arg3[%add3A_922, %dma_wait3A_926, %dma_wait3A_927] : memref<4096x2x4096xf32, #tpu.memory_space<hbm>> -> memref<4x2x4096xf32, #tpu.memory_space<hbm>>
    tpu.wait_dma2 semaphore(%arg10 : memref<!tpu.dma_semaphore, #tpu.memory_space<semaphore_mem>>) src(%arg4 : memref<4x2x4096xf32, #tpu.memory_space<vmem>>) dst(%dma_wait3A_928 : memref<4x2x4096xf32, #tpu.memory_space<hbm>>)
    %add3A_929 = arith.constant 120 : i32
    %add3A_930 = arith.addi %mul3A_2, %add3A_929 : i32
    %dma_start3A_931 = arith.constant 0 : i32
    %dma_start3A_932 = arith.constant 0 : i32
    %dma_start3A_933 = tpu.memref_slice %arg2[%add3A_930, %dma_start3A_931, %dma_start3A_932] : memref<4096x2x4096xf32, #tpu.memory_space<hbm>> -> memref<4x2x4096xf32, #tpu.memory_space<hbm>>
    %dma_start3A_934 = arith.constant 0 : i32
    %dma_start3A_935 = arith.constant 0 : i32
    %dma_start3A_936 = tpu.memref_slice %arg2[%add3A_930, %dma_start3A_934, %dma_start3A_935] : memref<4096x2x4096xf32, #tpu.memory_space<hbm>> -> memref<4x2x4096xf32, #tpu.memory_space<hbm>>
    tpu.enqueue_dma source(%dma_start3A_936 : memref<4x2x4096xf32, #tpu.memory_space<hbm>>) target(%arg4 : memref<4x2x4096xf32, #tpu.memory_space<vmem>>) target_semaphore(%arg7 : memref<!tpu.dma_semaphore, #tpu.memory_space<semaphore_mem>>)
    %add3A_937 = arith.constant 116 : i32
    %add3A_938 = arith.addi %mul3A_2, %add3A_937 : i32
    %dma_wait3A_939 = arith.constant 0 : i32
    %dma_wait3A_940 = arith.constant 0 : i32
    %dma_wait3A_941 = tpu.memref_slice %arg2[%add3A_938, %dma_wait3A_939, %dma_wait3A_940] : memref<4096x2x4096xf32, #tpu.memory_space<hbm>> -> memref<4x2x4096xf32, #tpu.memory_space<hbm>>
    %dma_wait3A_942 = arith.constant 0 : i32
    %dma_wait3A_943 = arith.constant 0 : i32
    %dma_wait3A_944 = tpu.memref_slice %arg2[%add3A_938, %dma_wait3A_942, %dma_wait3A_943] : memref<4096x2x4096xf32, #tpu.memory_space<hbm>> -> memref<4x2x4096xf32, #tpu.memory_space<hbm>>
    tpu.wait_dma2 semaphore(%arg9 : memref<!tpu.dma_semaphore, #tpu.memory_space<semaphore_mem>>) src(%dma_wait3A_944 : memref<4x2x4096xf32, #tpu.memory_space<hbm>>) dst(%arg6 : memref<4x2x4096xf32, #tpu.memory_space<vmem>>)
    %add3A_945 = arith.constant 116 : i32
    %add3A_946 = arith.addi %mul3A_2, %add3A_945 : i32
    %dma_start3A_947 = arith.constant 0 : i32
    %dma_start3A_948 = arith.constant 0 : i32
    %dma_start3A_949 = tpu.memref_slice %arg3[%add3A_946, %dma_start3A_947, %dma_start3A_948] : memref<4096x2x4096xf32, #tpu.memory_space<hbm>> -> memref<4x2x4096xf32, #tpu.memory_space<hbm>>
    %dma_start3A_950 = arith.constant 0 : i32
    %dma_start3A_951 = arith.constant 0 : i32
    %dma_start3A_952 = tpu.memref_slice %arg3[%add3A_946, %dma_start3A_950, %dma_start3A_951] : memref<4096x2x4096xf32, #tpu.memory_space<hbm>> -> memref<4x2x4096xf32, #tpu.memory_space<hbm>>
    tpu.enqueue_dma source(%arg6 : memref<4x2x4096xf32, #tpu.memory_space<vmem>>) target(%dma_start3A_952 : memref<4x2x4096xf32, #tpu.memory_space<hbm>>) target_semaphore(%arg12 : memref<!tpu.dma_semaphore, #tpu.memory_space<semaphore_mem>>)
    %add3A_953 = arith.constant 112 : i32
    %add3A_954 = arith.addi %mul3A_2, %add3A_953 : i32
    %dma_wait3A_955 = arith.constant 0 : i32
    %dma_wait3A_956 = arith.constant 0 : i32
    %dma_wait3A_957 = tpu.memref_slice %arg3[%add3A_954, %dma_wait3A_955, %dma_wait3A_956] : memref<4096x2x4096xf32, #tpu.memory_space<hbm>> -> memref<4x2x4096xf32, #tpu.memory_space<hbm>>
    %dma_wait3A_958 = arith.constant 0 : i32
    %dma_wait3A_959 = arith.constant 0 : i32
    %dma_wait3A_960 = tpu.memref_slice %arg3[%add3A_954, %dma_wait3A_958, %dma_wait3A_959] : memref<4096x2x4096xf32, #tpu.memory_space<hbm>> -> memref<4x2x4096xf32, #tpu.memory_space<hbm>>
    tpu.wait_dma2 semaphore(%arg11 : memref<!tpu.dma_semaphore, #tpu.memory_space<semaphore_mem>>) src(%arg5 : memref<4x2x4096xf32, #tpu.memory_space<vmem>>) dst(%dma_wait3A_960 : memref<4x2x4096xf32, #tpu.memory_space<hbm>>)
    %add3A_961 = arith.constant 124 : i32
    %add3A_962 = arith.addi %mul3A_2, %add3A_961 : i32
    %dma_start3A_963 = arith.constant 0 : i32
    %dma_start3A_964 = arith.constant 0 : i32
    %dma_start3A_965 = tpu.memref_slice %arg2[%add3A_962, %dma_start3A_963, %dma_start3A_964] : memref<4096x2x4096xf32, #tpu.memory_space<hbm>> -> memref<4x2x4096xf32, #tpu.memory_space<hbm>>
    %dma_start3A_966 = arith.constant 0 : i32
    %dma_start3A_967 = arith.constant 0 : i32
    %dma_start3A_968 = tpu.memref_slice %arg2[%add3A_962, %dma_start3A_966, %dma_start3A_967] : memref<4096x2x4096xf32, #tpu.memory_space<hbm>> -> memref<4x2x4096xf32, #tpu.memory_space<hbm>>
    tpu.enqueue_dma source(%dma_start3A_968 : memref<4x2x4096xf32, #tpu.memory_space<hbm>>) target(%arg5 : memref<4x2x4096xf32, #tpu.memory_space<vmem>>) target_semaphore(%arg8 : memref<!tpu.dma_semaphore, #tpu.memory_space<semaphore_mem>>)
    %add3A_969 = arith.constant 120 : i32
    %add3A_970 = arith.addi %mul3A_2, %add3A_969 : i32
    %dma_wait3A_971 = arith.constant 0 : i32
    %dma_wait3A_972 = arith.constant 0 : i32
    %dma_wait3A_973 = tpu.memref_slice %arg2[%add3A_970, %dma_wait3A_971, %dma_wait3A_972] : memref<4096x2x4096xf32, #tpu.memory_space<hbm>> -> memref<4x2x4096xf32, #tpu.memory_space<hbm>>
    %dma_wait3A_974 = arith.constant 0 : i32
    %dma_wait3A_975 = arith.constant 0 : i32
    %dma_wait3A_976 = tpu.memref_slice %arg2[%add3A_970, %dma_wait3A_974, %dma_wait3A_975] : memref<4096x2x4096xf32, #tpu.memory_space<hbm>> -> memref<4x2x4096xf32, #tpu.memory_space<hbm>>
    tpu.wait_dma2 semaphore(%arg7 : memref<!tpu.dma_semaphore, #tpu.memory_space<semaphore_mem>>) src(%dma_wait3A_976 : memref<4x2x4096xf32, #tpu.memory_space<hbm>>) dst(%arg4 : memref<4x2x4096xf32, #tpu.memory_space<vmem>>)
    %add3A_977 = arith.constant 120 : i32
    %add3A_978 = arith.addi %mul3A_2, %add3A_977 : i32
    %dma_start3A_979 = arith.constant 0 : i32
    %dma_start3A_980 = arith.constant 0 : i32
    %dma_start3A_981 = tpu.memref_slice %arg3[%add3A_978, %dma_start3A_979, %dma_start3A_980] : memref<4096x2x4096xf32, #tpu.memory_space<hbm>> -> memref<4x2x4096xf32, #tpu.memory_space<hbm>>
    %dma_start3A_982 = arith.constant 0 : i32
    %dma_start3A_983 = arith.constant 0 : i32
    %dma_start3A_984 = tpu.memref_slice %arg3[%add3A_978, %dma_start3A_982, %dma_start3A_983] : memref<4096x2x4096xf32, #tpu.memory_space<hbm>> -> memref<4x2x4096xf32, #tpu.memory_space<hbm>>
    tpu.enqueue_dma source(%arg4 : memref<4x2x4096xf32, #tpu.memory_space<vmem>>) target(%dma_start3A_984 : memref<4x2x4096xf32, #tpu.memory_space<hbm>>) target_semaphore(%arg10 : memref<!tpu.dma_semaphore, #tpu.memory_space<semaphore_mem>>)
    %add3A_985 = arith.constant 124 : i32
    %add3A_986 = arith.addi %mul3A_2, %add3A_985 : i32
    %dma_wait3A_987 = arith.constant 0 : i32
    %dma_wait3A_988 = arith.constant 0 : i32
    %dma_wait3A_989 = tpu.memref_slice %arg2[%add3A_986, %dma_wait3A_987, %dma_wait3A_988] : memref<4096x2x4096xf32, #tpu.memory_space<hbm>> -> memref<4x2x4096xf32, #tpu.memory_space<hbm>>
    %dma_wait3A_990 = arith.constant 0 : i32
    %dma_wait3A_991 = arith.constant 0 : i32
    %dma_wait3A_992 = tpu.memref_slice %arg2[%add3A_986, %dma_wait3A_990, %dma_wait3A_991] : memref<4096x2x4096xf32, #tpu.memory_space<hbm>> -> memref<4x2x4096xf32, #tpu.memory_space<hbm>>
    tpu.wait_dma2 semaphore(%arg8 : memref<!tpu.dma_semaphore, #tpu.memory_space<semaphore_mem>>) src(%dma_wait3A_992 : memref<4x2x4096xf32, #tpu.memory_space<hbm>>) dst(%arg5 : memref<4x2x4096xf32, #tpu.memory_space<vmem>>)
    %add3A_993 = arith.constant 124 : i32
    %add3A_994 = arith.addi %mul3A_2, %add3A_993 : i32
    %dma_start3A_995 = arith.constant 0 : i32
    %dma_start3A_996 = arith.constant 0 : i32
    %dma_start3A_997 = tpu.memref_slice %arg3[%add3A_994, %dma_start3A_995, %dma_start3A_996] : memref<4096x2x4096xf32, #tpu.memory_space<hbm>> -> memref<4x2x4096xf32, #tpu.memory_space<hbm>>
    %dma_start3A_998 = arith.constant 0 : i32
    %dma_start3A_999 = arith.constant 0 : i32
    %dma_start3A_1000 = tpu.memref_slice %arg3[%add3A_994, %dma_start3A_998, %dma_start3A_999] : memref<4096x2x4096xf32, #tpu.memory_space<hbm>> -> memref<4x2x4096xf32, #tpu.memory_space<hbm>>
    tpu.enqueue_dma source(%arg5 : memref<4x2x4096xf32, #tpu.memory_space<vmem>>) target(%dma_start3A_1000 : memref<4x2x4096xf32, #tpu.memory_space<hbm>>) target_semaphore(%arg11 : memref<!tpu.dma_semaphore, #tpu.memory_space<semaphore_mem>>)
    %add3A_1001 = arith.constant 116 : i32
    %add3A_1002 = arith.addi %mul3A_2, %add3A_1001 : i32
    %dma_wait3A_1003 = arith.constant 0 : i32
    %dma_wait3A_1004 = arith.constant 0 : i32
    %dma_wait3A_1005 = tpu.memref_slice %arg3[%add3A_1002, %dma_wait3A_1003, %dma_wait3A_1004] : memref<4096x2x4096xf32, #tpu.memory_space<hbm>> -> memref<4x2x4096xf32, #tpu.memory_space<hbm>>
    %dma_wait3A_1006 = arith.constant 0 : i32
    %dma_wait3A_1007 = arith.constant 0 : i32
    %dma_wait3A_1008 = tpu.memref_slice %arg3[%add3A_1002, %dma_wait3A_1006, %dma_wait3A_1007] : memref<4096x2x4096xf32, #tpu.memory_space<hbm>> -> memref<4x2x4096xf32, #tpu.memory_space<hbm>>
    tpu.wait_dma2 semaphore(%arg12 : memref<!tpu.dma_semaphore, #tpu.memory_space<semaphore_mem>>) src(%arg6 : memref<4x2x4096xf32, #tpu.memory_space<vmem>>) dst(%dma_wait3A_1008 : memref<4x2x4096xf32, #tpu.memory_space<hbm>>)
    %add3A_1009 = arith.constant 120 : i32
    %add3A_1010 = arith.addi %mul3A_2, %add3A_1009 : i32
    %dma_wait3A_1011 = arith.constant 0 : i32
    %dma_wait3A_1012 = arith.constant 0 : i32
    %dma_wait3A_1013 = tpu.memref_slice %arg3[%add3A_1010, %dma_wait3A_1011, %dma_wait3A_1012] : memref<4096x2x4096xf32, #tpu.memory_space<hbm>> -> memref<4x2x4096xf32, #tpu.memory_space<hbm>>
    %dma_wait3A_1014 = arith.constant 0 : i32
    %dma_wait3A_1015 = arith.constant 0 : i32
    %dma_wait3A_1016 = tpu.memref_slice %arg3[%add3A_1010, %dma_wait3A_1014, %dma_wait3A_1015] : memref<4096x2x4096xf32, #tpu.memory_space<hbm>> -> memref<4x2x4096xf32, #tpu.memory_space<hbm>>
    tpu.wait_dma2 semaphore(%arg10 : memref<!tpu.dma_semaphore, #tpu.memory_space<semaphore_mem>>) src(%arg4 : memref<4x2x4096xf32, #tpu.memory_space<vmem>>) dst(%dma_wait3A_1016 : memref<4x2x4096xf32, #tpu.memory_space<hbm>>)
    %add3A_1017 = arith.constant 124 : i32
    %add3A_1018 = arith.addi %mul3A_2, %add3A_1017 : i32
    %dma_wait3A_1019 = arith.constant 0 : i32
    %dma_wait3A_1020 = arith.constant 0 : i32
    %dma_wait3A_1021 = tpu.memref_slice %arg3[%add3A_1018, %dma_wait3A_1019, %dma_wait3A_1020] : memref<4096x2x4096xf32, #tpu.memory_space<hbm>> -> memref<4x2x4096xf32, #tpu.memory_space<hbm>>
    %dma_wait3A_1022 = arith.constant 0 : i32
    %dma_wait3A_1023 = arith.constant 0 : i32
    %dma_wait3A_1024 = tpu.memref_slice %arg3[%add3A_1018, %dma_wait3A_1022, %dma_wait3A_1023] : memref<4096x2x4096xf32, #tpu.memory_space<hbm>> -> memref<4x2x4096xf32, #tpu.memory_space<hbm>>
    tpu.wait_dma2 semaphore(%arg11 : memref<!tpu.dma_semaphore, #tpu.memory_space<semaphore_mem>>) src(%arg5 : memref<4x2x4096xf32, #tpu.memory_space<vmem>>) dst(%dma_wait3A_1024 : memref<4x2x4096xf32, #tpu.memory_space<hbm>>)
    return
  }
}

</mosaic_0001>

<sc_bundles>
// kernel: kernel.3.cloned.1.call-start
scs
__scs_entry_jumppad:
0x0: {  	(pc) =	sbr.rel $0x88, $3  }
0x1: {  	(tag) =	ssettag $0x0;
	lr =	simm.s32 $0x1  }
0x2: {  	[smem:$0x3FA0] =	sst lr;
	_ =	strace $0xD0000000  }
0x3: {  	_ = 	snop  }
0x4: {  	_ = 	snop  }
0x5: {  	_ = 	snop  }
0x6: {  	_ = 	snop  }
0x7: {  	_ = 	snop  }
__scs_overlays_trampoline_lowered:
0x8: {  	[smem:$0x3FAF] =	sst s0  }
0x9: {  	[smem:$0x3FB0] =	sst s1  }
0xa: {  	[smem:$0x3FB1] =	sst s2  }
0xb: {  	[smem:$0x3FB2] =	sst s3  }
0xc: {  	[smem:$0x3FB3] =	sst s4  }
0xd: {  	[smem:$0x3FB4] =	sst s5  }
0xe: {  	[smem:$0x3FB5] =	sst s6  }
0xf: {  	[smem:$0x3FB6] =	sst s7  }
0x10: {  	[smem:$0x3FB7] =	sst s8  }
0x11: {  	[smem:$0x3FB8] =	sst s9;
	s0 =	simm.s32 @!p0 $0x0  }
0x12: {  	s1 =	sld [smem:$0x3F9E];
	s0 =	simm.s32 @p0 $0x1  }
0x13: {  	[smem:$0x3FB9] =	sst s0;
	s0 =	simm.s32 @!p1 $0x0  }
0x14: {  	s2 =	sld [smem:$0x3F9D];
	s0 =	simm.s32 @p1 $0x1  }
0x15: {  	[smem:$0x3FBA] =	sst s0;
	s0 =	simm.s32 @!p2 $0x0  }
0x16: {  	s3 =	sld [smem:$0x3FDB];
	s0 =	simm.s32 @p2 $0x1  }
0x17: {  	s4 =	simm.s32 $0x1BF5;
	[smem:$0x3FBC] =	sst s0  }
0x18: {  	s0 =	sld [smem:$0x3F9F];
	_ =	swait.ge [sflag:s4], $0x0  }
0x19: {  	s7 =	sld [smem:$0x3FA0]  }
0x1a: {  	s8 =	sadd.s32 $0xFFFFE003, lr  }
0x1b: {  	s9 =	sadd.s32 $0xFFFFFEF7, lr;
	s5 =	simm.s32 $0xFFFFFFFF;
	p2 =	slt.u32 s8, $0xFFFFF086  }
0x1c: {  	p1 =	slt.u32 s9, $0xF7A;
	s5 =	simm.s32 @!p2 $0x0  }
0x1d: {  	s5 =	simm.s32 @p1 $0x1;
	p0 =	seq.s32 s7, s2  }
0x1e: {  	s7 =	smul.u32 @!p0 $0xF7A, s2;
	p2 =	seq.s32 @!p0 s5, $0x0  }
0x1f: {  	s9 =	smul.u32 $0xF7A, s1;
	s8 =	simm.s32 @!p0 $0x1BF5;
	p2 =	por !p2, p0  }
0x20: {  	[sflag:s8] =	ssyncset.s32 @!p0 $0xFFFFF086;
	s6 =	sadd.s32 @!p0 s3, s7;
	s7 =	simm.s32 @!p0 $0x108  }
0x21: {  	s3 =	sadd.s32 s3, s9;
	s6 =	sadd.s32 @!p0 $0x88, s6;
	s7 =	simm.s32 @p2 $0x1082  }
0x22: {  	[simem:s7], [sflag:s8] =	dma.local @!p0 [hbm:s6], $0xF7A  }
0x23: {  	s9 =	sor.u32 $0xD0000000, s2;
	s6 =	simm.s32 $0x108;
	_ =	swait.ge @!p0 [sflag:s8], $0x0  }
0x24: {  	s3 =	sadd.s32 $0x88, s3;
	s6 =	simm.s32 @!p1 $0x1082;
	[sflag:s4] =	ssyncset.s32 $0xFFFFF086  }
0x25: {  	[simem:s6], [sflag:s4] =	dma.local [hbm:s3], $0xF7A  }
0x26: {  	[smem:$0x3FA0] =	sst s1;
	(tag) =	ssettag s2;
	_ =	strace s9  }
0x27: {  	s1 =	sld [smem:$0x3FB0]  }
0x28: {  	s2 =	sld [smem:$0x3FB1]  }
0x29: {  	s4 =	sld [smem:$0x3FB3]  }
0x2a: {  	p0 =	seq.s32 s5, $0x0;
	s5 =	sld [smem:$0x3FB4]  }
0x2b: {  	s6 =	sld [smem:$0x3FB5]  }
0x2c: {  	s7 =	sld [smem:$0x3FB6]  }
0x2d: {  	s3 =	simm.s32 $0x108;
	s8 =	sld [smem:$0x3FB7]  }
0x2e: {  	s3 =	simm.s32 @!p0 $0x1082;
	s9 =	sld [smem:$0x3FB8]  }
0x2f: {  	lr =	sadd.s32 s0, s3;
	s0 =	sld [smem:$0x3FAF]  }
0x30: {  	s3 =	sld [smem:$0x3FB2]  }
0x31: {  	[smem:$0x3FBB] =	sst s10  }
0x32: {  	s10 =	sld [smem:$0x3FB9];
	_ =	sdelay $0x3  }
0x33: {  	p0 =	seq.s32 s10, $0x1;
	s10 =	sld [smem:$0x3FBB];
	_ =	sdelay $0x3  }
0x34: {  	[smem:$0x3FBB] =	sst s10  }
0x35: {  	s10 =	sld [smem:$0x3FBA];
	_ =	sdelay $0x3  }
0x36: {  	p1 =	seq.s32 s10, $0x1;
	s10 =	sld [smem:$0x3FBB];
	_ =	sdelay $0x3  }
0x37: {  	[smem:$0x3FBB] =	sst s10  }
0x38: {  	s10 =	sld [smem:$0x3FBC]  }
0x39: {  	_ = 	snop;
	(pc) =	sbr.ind lr, $3  }
0x3a: {  	_ = 	snop  }
0x3b: {  	_ = 	snop  }
0x3c: {  	p2 =	seq.s32 s10, $0x1;
	s10 =	sld [smem:$0x3FBB]  }
0x3d: {  	_ =	shalt  }
0x3e: {  	_ =	shalt  }
0x3f: {  	_ =	shalt  }
0x40: {  	_ =	shalt  }
0x41: {  	_ =	shalt  }
0x42: {  	_ =	shalt  }
0x43: {  	_ =	shalt  }
0x44: {  	_ =	shalt  }
0x45: {  	_ =	shalt  }
0x46: {  	_ =	shalt  }
0x47: {  	_ =	shalt  }
0x48: {  	_ =	shalt  }
0x49: {  	_ =	shalt  }
0x4a: {  	_ =	shalt  }
0x4b: {  	_ =	shalt  }
0x4c: {  	_ =	shalt  }
0x4d: {  	_ =	shalt  }
0x4e: {  	_ =	shalt  }
0x4f: {  	_ =	shalt  }
0x50: {  	_ =	shalt  }
0x51: {  	_ =	shalt  }
0x52: {  	_ =	shalt  }
0x53: {  	_ =	shalt  }
0x54: {  	_ =	shalt  }
0x55: {  	_ =	shalt  }
0x56: {  	_ =	shalt  }
0x57: {  	_ =	shalt  }
0x58: {  	_ =	shalt  }
0x59: {  	_ =	shalt  }
0x5a: {  	_ =	shalt  }
0x5b: {  	_ =	shalt  }
0x5c: {  	_ =	shalt  }
0x5d: {  	_ =	shalt  }
0x5e: {  	_ =	shalt  }
0x5f: {  	_ =	shalt  }
0x60: {  	_ =	shalt  }
0x61: {  	_ =	shalt  }
0x62: {  	_ =	shalt  }
0x63: {  	_ =	shalt  }
0x64: {  	_ =	shalt  }
0x65: {  	_ =	shalt  }
0x66: {  	_ =	shalt  }
0x67: {  	_ =	shalt  }
0x68: {  	_ =	shalt  }
0x69: {  	_ =	shalt  }
0x6a: {  	_ =	shalt  }
0x6b: {  	_ =	shalt  }
0x6c: {  	_ =	shalt  }
0x6d: {  	_ =	shalt  }
0x6e: {  	_ =	shalt  }
0x6f: {  	_ =	shalt  }
0x70: {  	_ =	shalt  }
0x71: {  	_ =	shalt  }
0x72: {  	_ =	shalt  }
0x73: {  	_ =	shalt  }
0x74: {  	_ =	shalt  }
0x75: {  	_ =	shalt  }
0x76: {  	_ =	shalt  }
0x77: {  	_ =	shalt  }
0x78: {  	_ =	shalt  }
0x79: {  	_ =	shalt  }
0x7a: {  	_ =	shalt  }
0x7b: {  	_ =	shalt  }
0x7c: {  	_ =	shalt  }
0x7d: {  	_ =	shalt  }
0x7e: {  	_ =	shalt  }
0x7f: {  	_ =	shalt  }
0x80: {  	_ =	shalt  }
0x81: {  	_ =	shalt  }
0x82: {  	_ =	shalt  }
0x83: {  	_ =	shalt  }
0x84: {  	_ =	shalt  }
0x85: {  	_ =	shalt  }
0x86: {  	_ =	shalt  }
0x87: {  	_ =	shalt  }
.Lfunc_end0:
.L_simem_size_0:
called_computation_lowered:
.L_overlay_start_0:
0x88: {  	s2 =	sld [smem:$0x3FD9]  }
0x89: {  	s3 =	sld [smem:$0x3FFE];
	_ =	sdelay $0x1  }
0x8a: {  	s1 =	srdreg.scid  }
0x8b: {  	s0 =	sand.u32 $0x1, s1  }
0x8c: {  	s18 =	sshll.u32 s0, $0xA;
	s2 =	sadd.s32 s3, s2  }
0x8d: {  	s2 =	sadd.s32 s2, s18  }
0x8e: {  	[smem:$0x3FC7] =	sst s2  }
0x8f: {  	_ = 	snop  }
0x90: {  	s2 =	sld [smem:$0x3FC9]  }
0x91: {  	s19 =	sld [smem:$0x3FD0];
	(tm) =	ssettm $0x1  }
0x92: {  	s4 =	sld [smem:$0x3FFB];
	_ =	sdelay $0x3  }
0x93: {  	_ =	strace s4  }
0x94: {  	s4 =	sld [smem:$0x3FFC];
	_ =	sdelay $0x3  }
0x95: {  	_ =	strace s4  }
0x96: {  	s4 =	sld [smem:$0x3FFD];
	_ =	sdelay $0x3  }
0x97: {  	_ =	strace s4  }
0x98: {  	_ =	strace $0x8FFFFFFF  }
0x99: {  	s20 =	sld [smem:$0x3FDB];
	_ =	sdelay $0x1  }
0x9a: {  	s5 =	simm.s32 $_scs_section_size  }
0x9b: {  	s6 =	simm.s32 $_size__tile_overlayer_lowered;
	s7 =	simm.s32 $_tile_overlayer_lowered  }
0x9c: {  	s23 =	simm.s32 $0x1BFF;
	s22 =	sshll.u32 s7, $0x1;
	s4 =	sadd.s32 s5, s20  }
0x9d: {  	s8 =	simm.s32 $0x0;
	s21 =	sshll.u32 s6, $0x1;
	s6 =	sadd.s32 s22, s4  }
0x9e: {  	[timem:s8], [sflag:s23] =	dma.local [hbm:s6], s21  }
0x9f: {  	_ =	swait.ge [sflag:s23], s21  }
0xa0: {  	s5 =	ssub.s32 $0x0, s21;
	[sflag:s23] =	ssyncset.done $0x0  }
0xa1: {  	[sflag:s23] =	ssyncadd.s32 s5;
	_ =	sdelay $0x1  }
0xa2: {  	s24 =	simm.s32 $0x1B8B  }
0xa3: {  	_ =	swait.ge [sflag:s24], $0x1  }
0xa4: {  	[sflag:s24] =	ssyncset.done $0x0  }
0xa5: {  	s25 =	simm.s32 $0x1B8E;
	[sflag:s24] =	ssyncadd.s32 $0xFFFFFFFF  }
0xa6: {  	s26 =	simm.s32 $execute0_lowered;
	[smem:$0x3FD2] =	sst s25  }
0xa7: {  	s5 =	sshll.u32 s26, $0x1;
	_ =	strace $0x80000046;
	[dreg:$0x1] =	wrdreg $0xFFFFFFFF  }
0xa8: {  	s28 =	simm.s32 $_size_execute0_lowered;
	s4 =	sadd.s32 s4, s5;
	[dreg:$0x0] =	wrdreg $0x0  }
0xa9: {  	s5 =	sshll.u32 s28, $0x1;
	[dreg:$0x2] =	wrdreg s4  }
0xaa: {  	[dreg:$0x3] =	wrdreg s5  }
0xab: {  	[dreg:$0x4] =	wrdreg $0xC0  }
0xac: {  	_ =	task [dreg:s8], $0x5FFFF  }
0xad: {  	[dreg:$0x1] =	wrdreg $0xFFFFFFFF  }
0xae: {  	[dreg:$0x0] =	wrdreg $0x60  }
0xaf: {  	[dreg:$0x2] =	wrdreg s2  }
0xb0: {  	[dreg:$0x3] =	wrdreg s19  }
0xb1: {  	[dreg:$0x4] =	wrdreg $0x9  }
0xb2: {  	_ =	task.clear_ibuf [dreg:s8], $0x5FFFF;
	_ =	strace $0x90000046  }
0xb3: {  	s29 =	simm.s32 $0x9;
	_ =	strace $0x80000048  }
0xb4: {  	_ =	swait.ge [sflag:s29], $0x1  }
0xb5: {  	[sflag:s29] =	ssyncadd.s32 $0xFFFFFFFF  }
0xb6: {  	_ =	strace $0x90000048  }
0xb7: {  	_ =	sfence  }
0xb8: {  	s30 =	sld [smem:$0x0];
	_ =	sdelay $0x2  }
0xb9: {  	s31 =	sshll.u32 s1, $0xD;
	s1 =	sshrl.u32 s1, $0x2  }
0xba: {  	s3 =	sand.u32 $0x4000, s31;
	s1 =	sadd.s32 s1, s30  }
0xbb: {  	s0 =	sor.u32 s3, s0;
	s1 =	sshll.u32 s1, $0x11  }
0xbc: {  	s0 =	sor.u32 s1, s0  }
0xbd: {  	s0 =	sadd.s32 $0x8F2B, s0  }
0xbe: {  	[sflag:s0] =	ssyncadd.remote.s32 $0x1  }
0xbf: {  	_ =	sfence.sel $0xFFFF  }
0xc0: {  	[dreg:$0x0] =	wrdreg $0xFFFFFFFF;
	(pc) =	sbr.abs _section_cstart, $3  }
0xc1: {  	[dreg:$0x1] =	wrdreg $0xFFFFFFFF  }
0xc2: {  	_ =	task.clear_ibuf [dreg:s8], $0x2FFFF;
	_ =	strace $0x9FFFFFFF  }
0xc3: {  	(tm) =	ssettm $0x7FFFFFFF  }
tec
execute0_lowered:
.L_overlay_start_1:
0x0: {  	(tag) =	ssettag $0x1  }
0x1: {  	s1 =	srdreg.scid  }
0x2: {  	s3 =	rddreg [dreg:$0x0];
	s4 =	stileid.u32;
	s5 =	sand.u32 $0x1, s1  }
0x3: {  	s2 =	simm.s32 $0x0;
	s19 =	sshll.u32 s4, $0x12;
	s20 =	sshll.u32 s5, $0x11  }
0x4: {  	[smem:$0x7FF] =	sst s2;
	s4 =	sor.u32 s20, s19  }
0x5: {  	s0 =	rddreg [dreg:$0x1];
	_ =	strace $0x80000047;
	s1 =	sadd.s32 s3, s4  }
0x6: {  	s6 =	sor.u32 $0x1000, s4;
	s22 =	sadd.s32 s0, s4;
	[dreg:$0x3] =	wrdreg s1  }
0x7: {  	s7 =	sor.u32 $0x2000, s4;
	s21 =	sadd.s32 s3, s6;
	[dreg:$0x5] =	wrdreg s22  }
0x8: {  	s23 =	sadd.s32 s3, s7;
	[dreg:$0x4] =	wrdreg s21  }
0x9: {  	s25 =	sor.u32 $0x3000, s4;
	s24 =	sadd.s32 s0, s6;
	[dreg:$0x6] =	wrdreg s23  }
0xa: {  	s26 =	sadd.s32 s3, s25;
	[dreg:$0x7] =	wrdreg s24  }
0xb: {  	s8 =	sor.u32 $0x4000, s4;
	s7 =	sadd.s32 s0, s7;
	[dreg:$0x8] =	wrdreg s26  }
0xc: {  	s9 =	sadd.s32 s3, s8;
	[dreg:$0x9] =	wrdreg s7  }
0xd: {  	s11 =	sor.u32 $0x5000, s4;
	s10 =	sadd.s32 s0, s25;
	[dreg:$0xa] =	wrdreg s9  }
0xe: {  	s12 =	sadd.s32 s3, s11;
	[dreg:$0xb] =	wrdreg s10  }
0xf: {  	s14 =	sor.u32 $0x6000, s4;
	s13 =	sadd.s32 s0, s8;
	[dreg:$0xc] =	wrdreg s12  }
0x10: {  	s15 =	sadd.s32 s3, s14;
	[dreg:$0xd] =	wrdreg s13  }
0x11: {  	s17 =	sor.u32 $0x7000, s4;
	s16 =	sadd.s32 s0, s11;
	[dreg:$0xe] =	wrdreg s15  }
0x12: {  	s18 =	sadd.s32 s3, s17;
	[dreg:$0xf] =	wrdreg s16  }
0x13: {  	s19 =	sadd.s32 s0, s14;
	[dreg:$0x10] =	wrdreg s18  }
0x14: {  	s20 =	sor.u32 $0x8000, s4;
	s22 =	sadd.s32 s0, s17;
	[dreg:$0x11] =	wrdreg s19  }
0x15: {  	s25 =	sadd.s32 s0, s20;
	[dreg:$0x13] =	wrdreg s22  }
0x16: {  	[dreg:$0x15] =	wrdreg s25  }
0x17: {  	s21 =	sadd.s32 s3, s20;
	s23 =	sor.u32 $0x9000, s4;
	s1 =	rddreg [dreg:$0x3]  }
0x18: {  	s26 =	sor.u32 $0xA000, s4;
	[dreg:$0x12] =	wrdreg s21;
	s24 =	sadd.s32 s3, s23  }
0x19: {  	p0 =	por $0x0, $0x0;
	s8 =	sadd.s32 s3, s26;
	[dreg:$0x14] =	wrdreg s24  }
0x1a: {  	s10 =	sor.u32 $0xB000, s4;
	s9 =	sadd.s32 s0, s23;
	[dreg:$0x16] =	wrdreg s8  }
0x1b: {  	s5 =	ssub.s32 $0x2, s5;
	s11 =	sadd.s32 s3, s10;
	[dreg:$0x17] =	wrdreg s9  }
0x1c: {  	s13 =	sor.u32 $0xC000, s4;
	s12 =	sadd.s32 s0, s26;
	[dreg:$0x18] =	wrdreg s11  }
0x1d: {  	s6 =	sor.u32 $0x18000, s4;
	s14 =	sadd.s32 s3, s13;
	[dreg:$0x19] =	wrdreg s12  }
0x1e: {  	s16 =	sor.u32 $0xD000, s4;
	s15 =	sadd.s32 s0, s10;
	[dreg:$0x1a] =	wrdreg s14  }
0x1f: {  	s19 =	sor.u32 $0xE000, s4;
	s17 =	sadd.s32 s3, s16;
	[dreg:$0x1b] =	wrdreg s15  }
0x20: {  	s22 =	sor.u32 $0xF000, s4;
	s18 =	sadd.s32 s0, s13;
	[dreg:$0x1c] =	wrdreg s17  }
0x21: {  	s25 =	sor.u32 $0x10000, s4;
	s20 =	sadd.s32 s3, s19;
	[dreg:$0x1d] =	wrdreg s18  }
0x22: {  	s7 =	sor.u32 $0x19000, s4;
	s21 =	sadd.s32 s0, s16;
	[dreg:$0x1e] =	wrdreg s20  }
0x23: {  	s28 =	sadd.s32 s3, s6;
	s23 =	sadd.s32 s3, s22;
	[dreg:$0x1f] =	wrdreg s21  }
0x24: {  	s26 =	sadd.s32 s3, s25;
	[smem:$0x7EF] =	sst s23;
	s24 =	sadd.s32 s0, s19  }
0x25: {  	[smem:$0x7F1] =	sst s26;
	s8 =	sadd.s32 s0, s22;
	s9 =	sor.u32 $0x11000, s4  }
0x26: {  	s11 =	sadd.s32 s0, s25;
	s12 =	sor.u32 $0x12000, s4;
	[smem:$0x7F0] =	sst s24  }
0x27: {  	s15 =	sor.u32 $0x13000, s4;
	s18 =	sor.u32 $0x14000, s4;
	[smem:$0x7F2] =	sst s8  }
0x28: {  	s21 =	sor.u32 $0x15000, s4;
	s10 =	sadd.s32 s3, s9;
	[smem:$0x7F4] =	sst s11  }
0x29: {  	s26 =	sor.u32 $0x17000, s4;
	s13 =	sadd.s32 s3, s12;
	[smem:$0x7F3] =	sst s10  }
0x2a: {  	s14 =	sadd.s32 s0, s9;
	s16 =	sadd.s32 s3, s15;
	[smem:$0x7F5] =	sst s13  }
0x2b: {  	s17 =	sadd.s32 s0, s12;
	s8 =	sshrl.u32 s5, $0x1;
	[smem:$0x7F6] =	sst s14  }
0x2c: {  	s19 =	sadd.s32 s3, s18;
	s20 =	sadd.s32 s0, s15;
	[smem:$0x7F7] =	sst s16  }
0x2d: {  	s22 =	sadd.s32 s3, s21;
	s23 =	sadd.s32 s0, s18;
	[smem:$0x7F8] =	sst s17  }
0x2e: {  	s24 =	sor.u32 $0x16000, s4;
	s31 =	sadd.s32 s0, s21;
	[smem:$0x7F9] =	sst s19  }
0x2f: {  	s30 =	sadd.s32 s3, s26;
	s26 =	sadd.s32 s0, s26;
	[smem:$0x7FA] =	sst s20  }
0x30: {  	s9 =	sor.u32 $0x1A000, s4;
	s11 =	sor.u32 $0x1C000, s4;
	[smem:$0x7FB] =	sst s22  }
0x31: {  	s12 =	sor.u32 $0x1D000, s4;
	s5 =	ssub.s32 s5, s8;
	[smem:$0x7FC] =	sst s23  }
0x32: {  	s25 =	sadd.s32 s3, s24;
	s29 =	sadd.s32 s0, s24;
	s24 =	sadd.s32 s0, s6  }
0x33: {  	s10 =	sor.u32 $0x1B000, s4;
	s23 =	sadd.s32 s3, s9;
	s22 =	sadd.s32 s0, s7  }
0x34: {  	s19 =	sadd.s32 s0, s9;
	s18 =	sadd.s32 s3, s11;
	s15 =	sadd.s32 s3, s12  }
0x35: {  	s14 =	sadd.s32 s0, s11;
	s17 =	sor.u32 $0x1E000, s4;
	s4 =	sor.u32 $0x1F000, s4  }
0x36: {  	s9 =	simm.s32 $0x1;
	s11 =	simm.s32 $0x2;
	s20 =	smax.u32 s5, $0x1  }
0x37: {  	[smem:$0x7FD] =	sst s25;
	s25 =	sadd.s32 s3, s7;
	p1 =	sne.s32 s20, $0x1  }
.Ltmp0:
0x38: {  	s21 =	sadd.s32 s3, s10;
	s16 =	sadd.s32 s0, s10;
	(pc) =	sbr.rel @!p1 .LBB2_3-.Ltmp0, $4  }
0x39: {  	s13 =	sadd.s32 s3, s17;
	s10 =	sadd.s32 s0, s12;
	s8 =	sadd.s32 s3, s4  }
0x3a: {  	s6 =	sadd.s32 s0, s17;
	s3 =	sadd.s32 s0, s4;
	s4 =	simm.s32 $0x8000  }
0x3b: {  	s17 =	simm.s32 $0x10000;
	s7 =	simm.s32 $0x4;
	s5 =	simm.s32 $0x5  }
0x3c: {  	s12 =	simm.s32 $0x6;
	s0 =	sadd.s32 $0xFFFFFFFF, s20;
	s20 =	simm.s32 $0x3  }
0x3d: {  	[smem:$0x7EE] =	sst s0  }
0x3e: {  	[tilespmem:s2], [sflag:$0x1] =	stream.linear.gather [hbm4b:s1+s2], $0x8000, $0x38;
	[tilespmem:$0x18000] =	vst v63  }
0x3f: {  	s0 =	rddreg [dreg:$0x4]  }
0x40: {  	[tilespmem:s4], [sflag:$0x2] =	stream.linear.gather [hbm4b:s0+s2], $0x8000, $0x38;
	[tilespmem:$0x18000] =	vst v63  }
0x41: {  	_ =	swait.ge [sflag:s9], $0x8000  }
0x42: {  	[sflag:s9] =	ssyncset.done $0x0  }
0x43: {  	s0 =	rddreg [dreg:$0x5];
	[sflag:s9] =	ssyncadd.s32 $0xFFFF8000  }
0x44: {  	[hbm4b:s0+s2] =	stream.linear.scatter [tilespmem:s2], [sflag:$0x4], $0x8000, $0x38;
	[tilespmem:$0x18000] =	vst v63  }
0x45: {  	s1 =	rddreg [dreg:$0x6]  }
0x46: {  	[tilespmem:s17], [sflag:$0x3] =	stream.linear.gather [hbm4b:s1+s2], $0x8000, $0x38;
	[tilespmem:$0x18000] =	vst v63  }
0x47: {  	_ =	swait.ge [sflag:s11], $0x8000  }
0x48: {  	[sflag:s11] =	ssyncset.done $0x0  }
0x49: {  	s1 =	rddreg [dreg:$0x7];
	[sflag:s11] =	ssyncadd.s32 $0xFFFF8000  }
0x4a: {  	[hbm4b:s1+s2] =	stream.linear.scatter [tilespmem:s4], [sflag:$0x5], $0x8000, $0x38;
	[tilespmem:$0x18000] =	vst v63  }
0x4b: {  	_ =	swait.ge [sflag:s7], $0x8000  }
0x4c: {  	[sflag:s7] =	ssyncset.done $0x0  }
0x4d: {  	s1 =	rddreg [dreg:$0x8];
	[sflag:s7] =	ssyncadd.s32 $0xFFFF8000  }
0x4e: {  	[tilespmem:s2], [sflag:$0x1] =	stream.linear.gather [hbm4b:s1+s2], $0x8000, $0x38;
	[tilespmem:$0x18000] =	vst v63  }
0x4f: {  	_ =	swait.ge [sflag:s20], $0x8000  }
0x50: {  	[sflag:s20] =	ssyncset.done $0x0  }
0x51: {  	s1 =	rddreg [dreg:$0x9];
	[sflag:s20] =	ssyncadd.s32 $0xFFFF8000  }
0x52: {  	[hbm4b:s1+s2] =	stream.linear.scatter [tilespmem:s17], [sflag:$0x6], $0x8000, $0x38;
	[tilespmem:$0x18000] =	vst v63  }
0x53: {  	_ =	swait.ge [sflag:s5], $0x8000  }
0x54: {  	[sflag:s5] =	ssyncset.done $0x0  }
0x55: {  	s1 =	rddreg [dreg:$0xa];
	[sflag:s5] =	ssyncadd.s32 $0xFFFF8000  }
0x56: {  	[tilespmem:s4], [sflag:$0x2] =	stream.linear.gather [hbm4b:s1+s2], $0x8000, $0x38;
	[tilespmem:$0x18000] =	vst v63  }
0x57: {  	_ =	swait.ge [sflag:s9], $0x8000  }
0x58: {  	[sflag:s9] =	ssyncset.done $0x0  }
0x59: {  	s1 =	rddreg [dreg:$0xb];
	[sflag:s9] =	ssyncadd.s32 $0xFFFF8000  }
0x5a: {  	[hbm4b:s1+s2] =	stream.linear.scatter [tilespmem:s2], [sflag:$0x4], $0x8000, $0x38;
	[tilespmem:$0x18000] =	vst v63  }
0x5b: {  	_ =	swait.ge [sflag:s12], $0x8000  }
0x5c: {  	[sflag:s12] =	ssyncset.done $0x0  }
0x5d: {  	s1 =	rddreg [dreg:$0xc];
	[sflag:s12] =	ssyncadd.s32 $0xFFFF8000  }
0x5e: {  	[tilespmem:s17], [sflag:$0x3] =	stream.linear.gather [hbm4b:s1+s2], $0x8000, $0x38;
	[tilespmem:$0x18000] =	vst v63  }
0x5f: {  	_ =	swait.ge [sflag:s11], $0x8000  }
0x60: {  	[sflag:s11] =	ssyncset.done $0x0  }
0x61: {  	s1 =	rddreg [dreg:$0xd];
	[sflag:s11] =	ssyncadd.s32 $0xFFFF8000  }
0x62: {  	[hbm4b:s1+s2] =	stream.linear.scatter [tilespmem:s4], [sflag:$0x5], $0x8000, $0x38;
	[tilespmem:$0x18000] =	vst v63  }
0x63: {  	_ =	swait.ge [sflag:s7], $0x8000  }
0x64: {  	[sflag:s7] =	ssyncset.done $0x0  }
0x65: {  	s1 =	rddreg [dreg:$0xe];
	[sflag:s7] =	ssyncadd.s32 $0xFFFF8000  }
0x66: {  	[tilespmem:s2], [sflag:$0x1] =	stream.linear.gather [hbm4b:s1+s2], $0x8000, $0x38;
	[tilespmem:$0x18000] =	vst v63  }
0x67: {  	_ =	swait.ge [sflag:s20], $0x8000  }
0x68: {  	[sflag:s20] =	ssyncset.done $0x0  }
0x69: {  	s1 =	rddreg [dreg:$0xf];
	[sflag:s20] =	ssyncadd.s32 $0xFFFF8000  }
0x6a: {  	[hbm4b:s1+s2] =	stream.linear.scatter [tilespmem:s17], [sflag:$0x6], $0x8000, $0x38;
	[tilespmem:$0x18000] =	vst v63  }
0x6b: {  	_ =	swait.ge [sflag:s5], $0x8000  }
0x6c: {  	[sflag:s5] =	ssyncset.done $0x0  }
0x6d: {  	s1 =	rddreg [dreg:$0x10];
	[sflag:s5] =	ssyncadd.s32 $0xFFFF8000  }
0x6e: {  	[tilespmem:s4], [sflag:$0x2] =	stream.linear.gather [hbm4b:s1+s2], $0x8000, $0x38;
	[tilespmem:$0x18000] =	vst v63  }
0x6f: {  	_ =	swait.ge [sflag:s9], $0x8000  }
0x70: {  	[sflag:s9] =	ssyncset.done $0x0  }
0x71: {  	s1 =	rddreg [dreg:$0x11];
	[sflag:s9] =	ssyncadd.s32 $0xFFFF8000  }
0x72: {  	[hbm4b:s1+s2] =	stream.linear.scatter [tilespmem:s2], [sflag:$0x4], $0x8000, $0x38;
	[tilespmem:$0x18000] =	vst v63  }
0x73: {  	_ =	swait.ge [sflag:s12], $0x8000  }
0x74: {  	[sflag:s12] =	ssyncset.done $0x0  }
0x75: {  	s1 =	rddreg [dreg:$0x12];
	[sflag:s12] =	ssyncadd.s32 $0xFFFF8000  }
0x76: {  	[tilespmem:s17], [sflag:$0x3] =	stream.linear.gather [hbm4b:s1+s2], $0x8000, $0x38;
	[tilespmem:$0x18000] =	vst v63  }
0x77: {  	_ =	swait.ge [sflag:s11], $0x8000  }
0x78: {  	[sflag:s11] =	ssyncset.done $0x0  }
0x79: {  	s1 =	rddreg [dreg:$0x13];
	[sflag:s11] =	ssyncadd.s32 $0xFFFF8000  }
0x7a: {  	[hbm4b:s1+s2] =	stream.linear.scatter [tilespmem:s4], [sflag:$0x5], $0x8000, $0x38;
	[tilespmem:$0x18000] =	vst v63  }
0x7b: {  	_ =	swait.ge [sflag:s7], $0x8000  }
0x7c: {  	[sflag:s7] =	ssyncset.done $0x0  }
0x7d: {  	s1 =	rddreg [dreg:$0x14];
	[sflag:s7] =	ssyncadd.s32 $0xFFFF8000  }
0x7e: {  	[tilespmem:s2], [sflag:$0x1] =	stream.linear.gather [hbm4b:s1+s2], $0x8000, $0x38;
	[tilespmem:$0x18000] =	vst v63  }
0x7f: {  	_ =	swait.ge [sflag:s20], $0x8000  }
0x80: {  	[sflag:s20] =	ssyncset.done $0x0  }
0x81: {  	s1 =	rddreg [dreg:$0x15];
	[sflag:s20] =	ssyncadd.s32 $0xFFFF8000  }
0x82: {  	[hbm4b:s1+s2] =	stream.linear.scatter [tilespmem:s17], [sflag:$0x6], $0x8000, $0x38;
	[tilespmem:$0x18000] =	vst v63  }
0x83: {  	_ =	swait.ge [sflag:s5], $0x8000  }
0x84: {  	[sflag:s5] =	ssyncset.done $0x0  }
0x85: {  	s1 =	rddreg [dreg:$0x16];
	[sflag:s5] =	ssyncadd.s32 $0xFFFF8000  }
0x86: {  	[tilespmem:s4], [sflag:$0x2] =	stream.linear.gather [hbm4b:s1+s2], $0x8000, $0x38;
	[tilespmem:$0x18000] =	vst v63  }
0x87: {  	_ =	swait.ge [sflag:s9], $0x8000  }
0x88: {  	[sflag:s9] =	ssyncset.done $0x0  }
0x89: {  	s1 =	rddreg [dreg:$0x17];
	[sflag:s9] =	ssyncadd.s32 $0xFFFF8000  }
0x8a: {  	[hbm4b:s1+s2] =	stream.linear.scatter [tilespmem:s2], [sflag:$0x4], $0x8000, $0x38;
	[tilespmem:$0x18000] =	vst v63  }
0x8b: {  	_ =	swait.ge [sflag:s12], $0x8000  }
0x8c: {  	[sflag:s12] =	ssyncset.done $0x0  }
0x8d: {  	s1 =	rddreg [dreg:$0x18];
	[sflag:s12] =	ssyncadd.s32 $0xFFFF8000  }
0x8e: {  	[tilespmem:s17], [sflag:$0x3] =	stream.linear.gather [hbm4b:s1+s2], $0x8000, $0x38;
	[tilespmem:$0x18000] =	vst v63  }
0x8f: {  	_ =	swait.ge [sflag:s11], $0x8000  }
0x90: {  	[sflag:s11] =	ssyncset.done $0x0  }
0x91: {  	s1 =	rddreg [dreg:$0x19];
	[sflag:s11] =	ssyncadd.s32 $0xFFFF8000  }
0x92: {  	[hbm4b:s1+s2] =	stream.linear.scatter [tilespmem:s4], [sflag:$0x5], $0x8000, $0x38;
	[tilespmem:$0x18000] =	vst v63  }
0x93: {  	_ =	swait.ge [sflag:s7], $0x8000  }
0x94: {  	[sflag:s7] =	ssyncset.done $0x0  }
0x95: {  	s1 =	rddreg [dreg:$0x1a];
	[sflag:s7] =	ssyncadd.s32 $0xFFFF8000  }
0x96: {  	[tilespmem:s2], [sflag:$0x1] =	stream.linear.gather [hbm4b:s1+s2], $0x8000, $0x38;
	[tilespmem:$0x18000] =	vst v63  }
0x97: {  	_ =	swait.ge [sflag:s20], $0x8000  }
0x98: {  	[sflag:s20] =	ssyncset.done $0x0  }
0x99: {  	s1 =	rddreg [dreg:$0x1b];
	[sflag:s20] =	ssyncadd.s32 $0xFFFF8000  }
0x9a: {  	[hbm4b:s1+s2] =	stream.linear.scatter [tilespmem:s17], [sflag:$0x6], $0x8000, $0x38;
	[tilespmem:$0x18000] =	vst v63  }
0x9b: {  	_ =	swait.ge [sflag:s5], $0x8000  }
0x9c: {  	[sflag:s5] =	ssyncset.done $0x0  }
0x9d: {  	s1 =	rddreg [dreg:$0x1c];
	[sflag:s5] =	ssyncadd.s32 $0xFFFF8000  }
0x9e: {  	[tilespmem:s4], [sflag:$0x2] =	stream.linear.gather [hbm4b:s1+s2], $0x8000, $0x38;
	[tilespmem:$0x18000] =	vst v63  }
0x9f: {  	_ =	swait.ge [sflag:s9], $0x8000  }
0xa0: {  	[sflag:s9] =	ssyncset.done $0x0  }
0xa1: {  	s1 =	rddreg [dreg:$0x1d];
	[sflag:s9] =	ssyncadd.s32 $0xFFFF8000  }
0xa2: {  	[hbm4b:s1+s2] =	stream.linear.scatter [tilespmem:s2], [sflag:$0x4], $0x8000, $0x38;
	[tilespmem:$0x18000] =	vst v63  }
0xa3: {  	_ =	swait.ge [sflag:s12], $0x8000  }
0xa4: {  	[sflag:s12] =	ssyncset.done $0x0  }
0xa5: {  	s1 =	rddreg [dreg:$0x1e];
	[sflag:s12] =	ssyncadd.s32 $0xFFFF8000  }
0xa6: {  	[tilespmem:s17], [sflag:$0x3] =	stream.linear.gather [hbm4b:s1+s2], $0x8000, $0x38;
	[tilespmem:$0x18000] =	vst v63  }
0xa7: {  	_ =	swait.ge [sflag:s11], $0x8000  }
0xa8: {  	[sflag:s11] =	ssyncset.done $0x0  }
0xa9: {  	s1 =	rddreg [dreg:$0x1f];
	[sflag:s11] =	ssyncadd.s32 $0xFFFF8000  }
0xaa: {  	[hbm4b:s1+s2] =	stream.linear.scatter [tilespmem:s4], [sflag:$0x5], $0x8000, $0x38;
	[tilespmem:$0x18000] =	vst v63  }
0xab: {  	_ =	swait.ge [sflag:s7], $0x8000  }
0xac: {  	s1 =	sld [smem:$0x7EF]  }
0xad: {  	[sflag:s7] =	ssyncset.done $0x0  }
0xae: {  	[sflag:s7] =	ssyncadd.s32 $0xFFFF8000  }
0xaf: {  	[tilespmem:s2], [sflag:$0x1] =	stream.linear.gather [hbm4b:s1+s2], $0x8000, $0x38;
	[tilespmem:$0x18000] =	vst v63  }
0xb0: {  	_ =	swait.ge [sflag:s20], $0x8000  }
0xb1: {  	s1 =	sld [smem:$0x7F0]  }
0xb2: {  	[sflag:s20] =	ssyncset.done $0x0  }
0xb3: {  	[sflag:s20] =	ssyncadd.s32 $0xFFFF8000  }
0xb4: {  	[hbm4b:s1+s2] =	stream.linear.scatter [tilespmem:s17], [sflag:$0x6], $0x8000, $0x38;
	[tilespmem:$0x18000] =	vst v63  }
0xb5: {  	_ =	swait.ge [sflag:s5], $0x8000  }
0xb6: {  	s1 =	sld [smem:$0x7F1]  }
0xb7: {  	[sflag:s5] =	ssyncset.done $0x0  }
0xb8: {  	[sflag:s5] =	ssyncadd.s32 $0xFFFF8000  }
0xb9: {  	[tilespmem:s4], [sflag:$0x2] =	stream.linear.gather [hbm4b:s1+s2], $0x8000, $0x38;
	[tilespmem:$0x18000] =	vst v63  }
0xba: {  	_ =	swait.ge [sflag:s9], $0x8000  }
0xbb: {  	s1 =	sld [smem:$0x7F2]  }
0xbc: {  	[sflag:s9] =	ssyncset.done $0x0  }
0xbd: {  	[sflag:s9] =	ssyncadd.s32 $0xFFFF8000  }
0xbe: {  	[hbm4b:s1+s2] =	stream.linear.scatter [tilespmem:s2], [sflag:$0x4], $0x8000, $0x38;
	[tilespmem:$0x18000] =	vst v63  }
0xbf: {  	_ =	swait.ge [sflag:s12], $0x8000  }
0xc0: {  	s1 =	sld [smem:$0x7F3]  }
0xc1: {  	[sflag:s12] =	ssyncset.done $0x0  }
0xc2: {  	[sflag:s12] =	ssyncadd.s32 $0xFFFF8000  }
0xc3: {  	[tilespmem:s17], [sflag:$0x3] =	stream.linear.gather [hbm4b:s1+s2], $0x8000, $0x38;
	[tilespmem:$0x18000] =	vst v63  }
0xc4: {  	_ =	swait.ge [sflag:s11], $0x8000  }
0xc5: {  	s1 =	sld [smem:$0x7F4]  }
0xc6: {  	[sflag:s11] =	ssyncset.done $0x0  }
0xc7: {  	[sflag:s11] =	ssyncadd.s32 $0xFFFF8000  }
0xc8: {  	[hbm4b:s1+s2] =	stream.linear.scatter [tilespmem:s4], [sflag:$0x5], $0x8000, $0x38;
	[tilespmem:$0x18000] =	vst v63  }
0xc9: {  	_ =	swait.ge [sflag:s7], $0x8000  }
0xca: {  	s1 =	sld [smem:$0x7F5]  }
0xcb: {  	[sflag:s7] =	ssyncset.done $0x0  }
0xcc: {  	[sflag:s7] =	ssyncadd.s32 $0xFFFF8000  }
0xcd: {  	[tilespmem:s2], [sflag:$0x1] =	stream.linear.gather [hbm4b:s1+s2], $0x8000, $0x38;
	[tilespmem:$0x18000] =	vst v63  }
0xce: {  	_ =	swait.ge [sflag:s20], $0x8000  }
0xcf: {  	s1 =	sld [smem:$0x7F6]  }
0xd0: {  	[sflag:s20] =	ssyncset.done $0x0  }
0xd1: {  	[sflag:s20] =	ssyncadd.s32 $0xFFFF8000  }
0xd2: {  	[hbm4b:s1+s2] =	stream.linear.scatter [tilespmem:s17], [sflag:$0x6], $0x8000, $0x38;
	[tilespmem:$0x18000] =	vst v63  }
0xd3: {  	_ =	swait.ge [sflag:s5], $0x8000  }
0xd4: {  	s1 =	sld [smem:$0x7F7]  }
0xd5: {  	[sflag:s5] =	ssyncset.done $0x0  }
0xd6: {  	[sflag:s5] =	ssyncadd.s32 $0xFFFF8000  }
0xd7: {  	[tilespmem:s4], [sflag:$0x2] =	stream.linear.gather [hbm4b:s1+s2], $0x8000, $0x38;
	[tilespmem:$0x18000] =	vst v63  }
0xd8: {  	_ =	swait.ge [sflag:s9], $0x8000  }
0xd9: {  	s1 =	sld [smem:$0x7F8]  }
0xda: {  	[sflag:s9] =	ssyncset.done $0x0  }
0xdb: {  	[sflag:s9] =	ssyncadd.s32 $0xFFFF8000  }
0xdc: {  	[hbm4b:s1+s2] =	stream.linear.scatter [tilespmem:s2], [sflag:$0x4], $0x8000, $0x38;
	[tilespmem:$0x18000] =	vst v63  }
0xdd: {  	_ =	swait.ge [sflag:s12], $0x8000  }
0xde: {  	s1 =	sld [smem:$0x7F9]  }
0xdf: {  	[sflag:s12] =	ssyncset.done $0x0  }
0xe0: {  	[sflag:s12] =	ssyncadd.s32 $0xFFFF8000  }
0xe1: {  	[tilespmem:s17], [sflag:$0x3] =	stream.linear.gather [hbm4b:s1+s2], $0x8000, $0x38;
	[tilespmem:$0x18000] =	vst v63  }
0xe2: {  	_ =	swait.ge [sflag:s11], $0x8000  }
0xe3: {  	s1 =	sld [smem:$0x7FA]  }
0xe4: {  	[sflag:s11] =	ssyncset.done $0x0  }
0xe5: {  	[sflag:s11] =	ssyncadd.s32 $0xFFFF8000  }
0xe6: {  	[hbm4b:s1+s2] =	stream.linear.scatter [tilespmem:s4], [sflag:$0x5], $0x8000, $0x38;
	[tilespmem:$0x18000] =	vst v63  }
0xe7: {  	_ =	swait.ge [sflag:s7], $0x8000  }
0xe8: {  	s1 =	sld [smem:$0x7FB]  }
0xe9: {  	[sflag:s7] =	ssyncset.done $0x0  }
0xea: {  	[sflag:s7] =	ssyncadd.s32 $0xFFFF8000  }
0xeb: {  	[tilespmem:s2], [sflag:$0x1] =	stream.linear.gather [hbm4b:s1+s2], $0x8000, $0x38;
	[tilespmem:$0x18000] =	vst v63  }
0xec: {  	_ =	swait.ge [sflag:s20], $0x8000  }
0xed: {  	s1 =	sld [smem:$0x7FC]  }
0xee: {  	[sflag:s20] =	ssyncset.done $0x0  }
0xef: {  	[sflag:s20] =	ssyncadd.s32 $0xFFFF8000  }
0xf0: {  	[hbm4b:s1+s2] =	stream.linear.scatter [tilespmem:s17], [sflag:$0x6], $0x8000, $0x38;
	[tilespmem:$0x18000] =	vst v63  }
0xf1: {  	_ =	swait.ge [sflag:s5], $0x8000  }
0xf2: {  	s1 =	sld [smem:$0x7FD]  }
0xf3: {  	[sflag:s5] =	ssyncset.done $0x0  }
0xf4: {  	[sflag:s5] =	ssyncadd.s32 $0xFFFF8000  }
0xf5: {  	[tilespmem:s4], [sflag:$0x2] =	stream.linear.gather [hbm4b:s1+s2], $0x8000, $0x38;
	[tilespmem:$0x18000] =	vst v63  }
0xf6: {  	_ =	swait.ge [sflag:s9], $0x8000  }
0xf7: {  	[sflag:s9] =	ssyncset.done $0x0  }
0xf8: {  	[sflag:s9] =	ssyncadd.s32 $0xFFFF8000  }
0xf9: {  	[hbm4b:s31+s2] =	stream.linear.scatter [tilespmem:s2], [sflag:$0x4], $0x8000, $0x38;
	[tilespmem:$0x18000] =	vst v63  }
0xfa: {  	_ =	swait.ge [sflag:s12], $0x8000  }
0xfb: {  	[sflag:s12] =	ssyncset.done $0x0  }
0xfc: {  	[sflag:s12] =	ssyncadd.s32 $0xFFFF8000  }
0xfd: {  	[tilespmem:s17], [sflag:$0x3] =	stream.linear.gather [hbm4b:s30+s2], $0x8000, $0x38;
	[tilespmem:$0x18000] =	vst v63  }
0xfe: {  	_ =	swait.ge [sflag:s11], $0x8000  }
0xff: {  	[sflag:s11] =	ssyncset.done $0x0  }
0x100: {  	[sflag:s11] =	ssyncadd.s32 $0xFFFF8000  }
0x101: {  	[hbm4b:s29+s2] =	stream.linear.scatter [tilespmem:s4], [sflag:$0x5], $0x8000, $0x38;
	[tilespmem:$0x18000] =	vst v63  }
0x102: {  	_ =	swait.ge [sflag:s7], $0x8000  }
0x103: {  	[sflag:s7] =	ssyncset.done $0x0  }
0x104: {  	[sflag:s7] =	ssyncadd.s32 $0xFFFF8000  }
0x105: {  	[tilespmem:s2], [sflag:$0x1] =	stream.linear.gather [hbm4b:s28+s2], $0x8000, $0x38;
	[tilespmem:$0x18000] =	vst v63  }
0x106: {  	_ =	swait.ge [sflag:s20], $0x8000  }
0x107: {  	[sflag:s20] =	ssyncset.done $0x0  }
0x108: {  	[sflag:s20] =	ssyncadd.s32 $0xFFFF8000  }
0x109: {  	[hbm4b:s26+s2] =	stream.linear.scatter [tilespmem:s17], [sflag:$0x6], $0x8000, $0x38;
	[tilespmem:$0x18000] =	vst v63  }
0x10a: {  	_ =	swait.ge [sflag:s5], $0x8000  }
0x10b: {  	[sflag:s5] =	ssyncset.done $0x0  }
0x10c: {  	[sflag:s5] =	ssyncadd.s32 $0xFFFF8000  }
0x10d: {  	[tilespmem:s4], [sflag:$0x2] =	stream.linear.gather [hbm4b:s25+s2], $0x8000, $0x38;
	[tilespmem:$0x18000] =	vst v63  }
0x10e: {  	_ =	swait.ge [sflag:s9], $0x8000  }
0x10f: {  	[sflag:s9] =	ssyncset.done $0x0  }
0x110: {  	[sflag:s9] =	ssyncadd.s32 $0xFFFF8000  }
0x111: {  	[hbm4b:s24+s2] =	stream.linear.scatter [tilespmem:s2], [sflag:$0x4], $0x8000, $0x38;
	[tilespmem:$0x18000] =	vst v63  }
0x112: {  	_ =	swait.ge [sflag:s12], $0x8000  }
0x113: {  	[sflag:s12] =	ssyncset.done $0x0  }
0x114: {  	[sflag:s12] =	ssyncadd.s32 $0xFFFF8000  }
0x115: {  	[tilespmem:s17], [sflag:$0x3] =	stream.linear.gather [hbm4b:s23+s2], $0x8000, $0x38;
	[tilespmem:$0x18000] =	vst v63  }
0x116: {  	_ =	swait.ge [sflag:s11], $0x8000  }
0x117: {  	[sflag:s11] =	ssyncset.done $0x0  }
0x118: {  	[sflag:s11] =	ssyncadd.s32 $0xFFFF8000  }
0x119: {  	[hbm4b:s22+s2] =	stream.linear.scatter [tilespmem:s4], [sflag:$0x5], $0x8000, $0x38;
	[tilespmem:$0x18000] =	vst v63  }
0x11a: {  	_ =	swait.ge [sflag:s7], $0x8000  }
0x11b: {  	[sflag:s7] =	ssyncset.done $0x0  }
0x11c: {  	[sflag:s7] =	ssyncadd.s32 $0xFFFF8000  }
0x11d: {  	[tilespmem:s2], [sflag:$0x1] =	stream.linear.gather [hbm4b:s21+s2], $0x8000, $0x38;
	[tilespmem:$0x18000] =	vst v63  }
0x11e: {  	_ =	swait.ge [sflag:s20], $0x8000  }
0x11f: {  	[sflag:s20] =	ssyncset.done $0x0  }
0x120: {  	[sflag:s20] =	ssyncadd.s32 $0xFFFF8000  }
0x121: {  	[hbm4b:s19+s2] =	stream.linear.scatter [tilespmem:s17], [sflag:$0x6], $0x8000, $0x38;
	[tilespmem:$0x18000] =	vst v63  }
0x122: {  	_ =	swait.ge [sflag:s5], $0x8000  }
0x123: {  	[sflag:s5] =	ssyncset.done $0x0  }
0x124: {  	[sflag:s5] =	ssyncadd.s32 $0xFFFF8000  }
0x125: {  	[tilespmem:s4], [sflag:$0x2] =	stream.linear.gather [hbm4b:s18+s2], $0x8000, $0x38;
	[tilespmem:$0x18000] =	vst v63  }
0x126: {  	_ =	swait.ge [sflag:s9], $0x8000  }
0x127: {  	[sflag:s9] =	ssyncset.done $0x0  }
0x128: {  	[sflag:s9] =	ssyncadd.s32 $0xFFFF8000  }
0x129: {  	[hbm4b:s16+s2] =	stream.linear.scatter [tilespmem:s2], [sflag:$0x4], $0x8000, $0x38;
	[tilespmem:$0x18000] =	vst v63  }
0x12a: {  	_ =	swait.ge [sflag:s12], $0x8000  }
0x12b: {  	[sflag:s12] =	ssyncset.done $0x0  }
0x12c: {  	[sflag:s12] =	ssyncadd.s32 $0xFFFF8000  }
0x12d: {  	[tilespmem:s17], [sflag:$0x3] =	stream.linear.gather [hbm4b:s15+s2], $0x8000, $0x38;
	[tilespmem:$0x18000] =	vst v63  }
0x12e: {  	_ =	swait.ge [sflag:s11], $0x8000  }
0x12f: {  	[sflag:s11] =	ssyncset.done $0x0  }
0x130: {  	[sflag:s11] =	ssyncadd.s32 $0xFFFF8000  }
0x131: {  	[hbm4b:s14+s2] =	stream.linear.scatter [tilespmem:s4], [sflag:$0x5], $0x8000, $0x38;
	[tilespmem:$0x18000] =	vst v63  }
0x132: {  	_ =	swait.ge [sflag:s7], $0x8000  }
0x133: {  	[sflag:s7] =	ssyncset.done $0x0  }
0x134: {  	[sflag:s7] =	ssyncadd.s32 $0xFFFF8000  }
0x135: {  	[tilespmem:s2], [sflag:$0x1] =	stream.linear.gather [hbm4b:s13+s2], $0x8000, $0x38;
	[tilespmem:$0x18000] =	vst v63  }
0x136: {  	_ =	swait.ge [sflag:s20], $0x8000  }
0x137: {  	[sflag:s20] =	ssyncset.done $0x0  }
0x138: {  	[sflag:s20] =	ssyncadd.s32 $0xFFFF8000  }
0x139: {  	[hbm4b:s10+s2] =	stream.linear.scatter [tilespmem:s17], [sflag:$0x6], $0x8000, $0x38;
	[tilespmem:$0x18000] =	vst v63  }
0x13a: {  	_ =	swait.ge [sflag:s5], $0x8000  }
0x13b: {  	[sflag:s5] =	ssyncset.done $0x0  }
0x13c: {  	[sflag:s5] =	ssyncadd.s32 $0xFFFF8000  }
0x13d: {  	[tilespmem:s4], [sflag:$0x2] =	stream.linear.gather [hbm4b:s8+s2], $0x8000, $0x38;
	[tilespmem:$0x18000] =	vst v63  }
0x13e: {  	_ =	swait.ge [sflag:s9], $0x8000  }
0x13f: {  	[sflag:s9] =	ssyncset.done $0x0  }
0x140: {  	[sflag:s9] =	ssyncadd.s32 $0xFFFF8000  }
0x141: {  	[hbm4b:s6+s2] =	stream.linear.scatter [tilespmem:s2], [sflag:$0x4], $0x8000, $0x38;
	[tilespmem:$0x18000] =	vst v63  }
0x142: {  	_ =	swait.ge [sflag:s11], $0x8000  }
0x143: {  	[sflag:s11] =	ssyncset.done $0x0  }
0x144: {  	[sflag:s11] =	ssyncadd.s32 $0xFFFF8000  }
0x145: {  	[hbm4b:s3+s2] =	stream.linear.scatter [tilespmem:s4], [sflag:$0x5], $0x8000, $0x38;
	[tilespmem:$0x18000] =	vst v63  }
0x146: {  	_ =	swait.ge [sflag:s12], $0x8000  }
0x147: {  	[sflag:s12] =	ssyncset.done $0x0  }
0x148: {  	[sflag:s12] =	ssyncadd.s32 $0xFFFF8000  }
0x149: {  	_ =	swait.ge [sflag:s7], $0x8000  }
0x14a: {  	s1 =	sld [smem:$0x7EE];
	_ =	sdelay $0x2  }
0x14b: {  	p1 =	sne.s32 s1, $0x1  }
.Ltmp1:
0x14c: {  	_ = 	snop;
	(pc) =	sbr.rel @!p1 .LBB2_3-.Ltmp1, $4  }
0x14d: {  	[sflag:s7] =	ssyncset.done $0x0  }
0x14e: {  	[sflag:s7] =	ssyncadd.s32 $0xFFFF8000  }
0x14f: {  	p0 =	por $0x1, $0x1;
	_ =	swait.ge [sflag:s5], $0x8000  }
0x150: {  	s0 =	sadd.s32 $0xFFFFFFFF, s1;
	s1 =	rddreg [dreg:$0x3];
	[sflag:s5] =	ssyncset.done $0x0  }
.LBB2_2:
0x151: {  	[sflag:s5] =	ssyncadd.s32 $0xFFFF8000;
	s12 =	simm.s32 $0x8000  }
0x152: {  	s17 =	smov.u32 s31;
	s31 =	smov.u32 s30;
	s30 =	smov.u32 s29  }
0x153: {  	s29 =	smov.u32 s28;
	s28 =	smov.u32 s26;
	s26 =	smov.u32 s25  }
0x154: {  	s25 =	smov.u32 s24;
	s24 =	smov.u32 s23;
	s23 =	smov.u32 s22  }
0x155: {  	s22 =	smov.u32 s21;
	s21 =	smov.u32 s19;
	s19 =	smov.u32 s18  }
0x156: {  	s18 =	smov.u32 s16;
	s16 =	smov.u32 s15;
	s15 =	smov.u32 s14  }
0x157: {  	s14 =	smov.u32 s13;
	s13 =	smov.u32 s10;
	s10 =	smov.u32 s8  }
0x158: {  	[tilespmem:s2], [sflag:$0x1] =	stream.linear.gather [hbm4b:s1+s2], $0x8000, $0x38;
	[tilespmem:$0x18000] =	vst v63  }
0x159: {  	s8 =	smov.u32 s6;
	s6 =	smov.u32 s3;
	s3 =	rddreg [dreg:$0x4]  }
0x15a: {  	[tilespmem:s12], [sflag:$0x2] =	stream.linear.gather [hbm4b:s3+s2], $0x8000, $0x38;
	[tilespmem:$0x18000] =	vst v63  }
0x15b: {  	_ =	swait.ge [sflag:s9], $0x8000  }
0x15c: {  	[sflag:s9] =	ssyncset.done $0x0  }
0x15d: {  	s1 =	rddreg [dreg:$0x5];
	[sflag:s9] =	ssyncadd.s32 $0xFFFF8000  }
0x15e: {  	[hbm4b:s1+s2] =	stream.linear.scatter [tilespmem:s2], [sflag:$0x4], $0x8000, $0x38;
	[tilespmem:$0x18000] =	vst v63  }
0x15f: {  	s4 =	simm.s32 $0x10000;
	s3 =	rddreg [dreg:$0x6]  }
0x160: {  	[tilespmem:s4], [sflag:$0x3] =	stream.linear.gather [hbm4b:s3+s2], $0x8000, $0x38;
	[tilespmem:$0x18000] =	vst v63  }
0x161: {  	s4 =	simm.s32 $0x8000  }
0x162: {  	s3 =	smov.u32 s6;
	s6 =	smov.u32 s8;
	s8 =	smov.u32 s10  }
0x163: {  	s10 =	smov.u32 s13;
	s13 =	smov.u32 s14;
	s14 =	smov.u32 s15  }
0x164: {  	s15 =	smov.u32 s16;
	s16 =	smov.u32 s18;
	_ =	swait.ge [sflag:s11], $0x8000  }
0x165: {  	s18 =	smov.u32 s19;
	s19 =	smov.u32 s21;
	[sflag:s11] =	ssyncset.done $0x0  }
0x166: {  	s21 =	smov.u32 s22;
	s1 =	rddreg [dreg:$0x7];
	[sflag:s11] =	ssyncadd.s32 $0xFFFF8000  }
0x167: {  	[hbm4b:s1+s2] =	stream.linear.scatter [tilespmem:s4], [sflag:$0x5], $0x8000, $0x38;
	[tilespmem:$0x18000] =	vst v63  }
0x168: {  	s22 =	smov.u32 s23;
	s23 =	smov.u32 s24;
	_ =	swait.ge [sflag:s7], $0x8000  }
0x169: {  	s24 =	smov.u32 s25;
	s25 =	smov.u32 s26;
	[sflag:s7] =	ssyncset.done $0x0  }
0x16a: {  	s26 =	smov.u32 s28;
	s1 =	rddreg [dreg:$0x8];
	[sflag:s7] =	ssyncadd.s32 $0xFFFF8000  }
0x16b: {  	[tilespmem:s2], [sflag:$0x1] =	stream.linear.gather [hbm4b:s1+s2], $0x8000, $0x38;
	[tilespmem:$0x18000] =	vst v63  }
0x16c: {  	s28 =	smov.u32 s29;
	s29 =	smov.u32 s30;
	_ =	swait.ge [sflag:s20], $0x8000  }
0x16d: {  	s30 =	smov.u32 s31;
	s31 =	smov.u32 s17;
	[sflag:s20] =	ssyncset.done $0x0  }
0x16e: {  	s17 =	simm.s32 $0x10000;
	s1 =	rddreg [dreg:$0x9];
	[sflag:s20] =	ssyncadd.s32 $0xFFFF8000  }
0x16f: {  	[hbm4b:s1+s2] =	stream.linear.scatter [tilespmem:s17], [sflag:$0x6], $0x8000, $0x38;
	[tilespmem:$0x18000] =	vst v63  }
0x170: {  	_ =	swait.ge [sflag:s5], $0x8000  }
0x171: {  	[sflag:s5] =	ssyncset.done $0x0  }
0x172: {  	s1 =	rddreg [dreg:$0xa];
	[sflag:s5] =	ssyncadd.s32 $0xFFFF8000  }
0x173: {  	[tilespmem:s4], [sflag:$0x2] =	stream.linear.gather [hbm4b:s1+s2], $0x8000, $0x38;
	[tilespmem:$0x18000] =	vst v63  }
0x174: {  	_ =	swait.ge [sflag:s9], $0x8000  }
0x175: {  	[sflag:s9] =	ssyncset.done $0x0  }
0x176: {  	s12 =	simm.s32 $0x6;
	s1 =	rddreg [dreg:$0xb];
	[sflag:s9] =	ssyncadd.s32 $0xFFFF8000  }
0x177: {  	[hbm4b:s1+s2] =	stream.linear.scatter [tilespmem:s2], [sflag:$0x4], $0x8000, $0x38;
	[tilespmem:$0x18000] =	vst v63  }
0x178: {  	_ =	swait.ge [sflag:s12], $0x8000  }
0x179: {  	[sflag:s12] =	ssyncset.done $0x0  }
0x17a: {  	s1 =	rddreg [dreg:$0xc];
	[sflag:s12] =	ssyncadd.s32 $0xFFFF8000  }
0x17b: {  	[tilespmem:s17], [sflag:$0x3] =	stream.linear.gather [hbm4b:s1+s2], $0x8000, $0x38;
	[tilespmem:$0x18000] =	vst v63  }
0x17c: {  	_ =	swait.ge [sflag:s11], $0x8000  }
0x17d: {  	[sflag:s11] =	ssyncset.done $0x0  }
0x17e: {  	s1 =	rddreg [dreg:$0xd];
	[sflag:s11] =	ssyncadd.s32 $0xFFFF8000  }
0x17f: {  	[hbm4b:s1+s2] =	stream.linear.scatter [tilespmem:s4], [sflag:$0x5], $0x8000, $0x38;
	[tilespmem:$0x18000] =	vst v63  }
0x180: {  	_ =	swait.ge [sflag:s7], $0x8000  }
0x181: {  	[sflag:s7] =	ssyncset.done $0x0  }
0x182: {  	s1 =	rddreg [dreg:$0xe];
	[sflag:s7] =	ssyncadd.s32 $0xFFFF8000  }
0x183: {  	[tilespmem:s2], [sflag:$0x1] =	stream.linear.gather [hbm4b:s1+s2], $0x8000, $0x38;
	[tilespmem:$0x18000] =	vst v63  }
0x184: {  	_ =	swait.ge [sflag:s20], $0x8000  }
0x185: {  	[sflag:s20] =	ssyncset.done $0x0  }
0x186: {  	s1 =	rddreg [dreg:$0xf];
	[sflag:s20] =	ssyncadd.s32 $0xFFFF8000  }
0x187: {  	[hbm4b:s1+s2] =	stream.linear.scatter [tilespmem:s17], [sflag:$0x6], $0x8000, $0x38;
	[tilespmem:$0x18000] =	vst v63  }
0x188: {  	_ =	swait.ge [sflag:s5], $0x8000  }
0x189: {  	[sflag:s5] =	ssyncset.done $0x0  }
0x18a: {  	s1 =	rddreg [dreg:$0x10];
	[sflag:s5] =	ssyncadd.s32 $0xFFFF8000  }
0x18b: {  	[tilespmem:s4], [sflag:$0x2] =	stream.linear.gather [hbm4b:s1+s2], $0x8000, $0x38;
	[tilespmem:$0x18000] =	vst v63  }
0x18c: {  	_ =	swait.ge [sflag:s9], $0x8000  }
0x18d: {  	[sflag:s9] =	ssyncset.done $0x0  }
0x18e: {  	s1 =	rddreg [dreg:$0x11];
	[sflag:s9] =	ssyncadd.s32 $0xFFFF8000  }
0x18f: {  	[hbm4b:s1+s2] =	stream.linear.scatter [tilespmem:s2], [sflag:$0x4], $0x8000, $0x38;
	[tilespmem:$0x18000] =	vst v63  }
0x190: {  	_ =	swait.ge [sflag:s12], $0x8000  }
0x191: {  	[sflag:s12] =	ssyncset.done $0x0  }
0x192: {  	s1 =	rddreg [dreg:$0x12];
	[sflag:s12] =	ssyncadd.s32 $0xFFFF8000  }
0x193: {  	[tilespmem:s17], [sflag:$0x3] =	stream.linear.gather [hbm4b:s1+s2], $0x8000, $0x38;
	[tilespmem:$0x18000] =	vst v63  }
0x194: {  	_ =	swait.ge [sflag:s11], $0x8000  }
0x195: {  	[sflag:s11] =	ssyncset.done $0x0  }
0x196: {  	s1 =	rddreg [dreg:$0x13];
	[sflag:s11] =	ssyncadd.s32 $0xFFFF8000  }
0x197: {  	[hbm4b:s1+s2] =	stream.linear.scatter [tilespmem:s4], [sflag:$0x5], $0x8000, $0x38;
	[tilespmem:$0x18000] =	vst v63  }
0x198: {  	_ =	swait.ge [sflag:s7], $0x8000  }
0x199: {  	[sflag:s7] =	ssyncset.done $0x0  }
0x19a: {  	s1 =	rddreg [dreg:$0x14];
	[sflag:s7] =	ssyncadd.s32 $0xFFFF8000  }
0x19b: {  	[tilespmem:s2], [sflag:$0x1] =	stream.linear.gather [hbm4b:s1+s2], $0x8000, $0x38;
	[tilespmem:$0x18000] =	vst v63  }
0x19c: {  	_ =	swait.ge [sflag:s20], $0x8000  }
0x19d: {  	[sflag:s20] =	ssyncset.done $0x0  }
0x19e: {  	s1 =	rddreg [dreg:$0x15];
	[sflag:s20] =	ssyncadd.s32 $0xFFFF8000  }
0x19f: {  	[hbm4b:s1+s2] =	stream.linear.scatter [tilespmem:s17], [sflag:$0x6], $0x8000, $0x38;
	[tilespmem:$0x18000] =	vst v63  }
0x1a0: {  	_ =	swait.ge [sflag:s5], $0x8000  }
0x1a1: {  	[sflag:s5] =	ssyncset.done $0x0  }
0x1a2: {  	s1 =	rddreg [dreg:$0x16];
	[sflag:s5] =	ssyncadd.s32 $0xFFFF8000  }
0x1a3: {  	[tilespmem:s4], [sflag:$0x2] =	stream.linear.gather [hbm4b:s1+s2], $0x8000, $0x38;
	[tilespmem:$0x18000] =	vst v63  }
0x1a4: {  	_ =	swait.ge [sflag:s9], $0x8000  }
0x1a5: {  	[sflag:s9] =	ssyncset.done $0x0  }
0x1a6: {  	s1 =	rddreg [dreg:$0x17];
	[sflag:s9] =	ssyncadd.s32 $0xFFFF8000  }
0x1a7: {  	[hbm4b:s1+s2] =	stream.linear.scatter [tilespmem:s2], [sflag:$0x4], $0x8000, $0x38;
	[tilespmem:$0x18000] =	vst v63  }
0x1a8: {  	_ =	swait.ge [sflag:s12], $0x8000  }
0x1a9: {  	[sflag:s12] =	ssyncset.done $0x0  }
0x1aa: {  	s1 =	rddreg [dreg:$0x18];
	[sflag:s12] =	ssyncadd.s32 $0xFFFF8000  }
0x1ab: {  	[tilespmem:s17], [sflag:$0x3] =	stream.linear.gather [hbm4b:s1+s2], $0x8000, $0x38;
	[tilespmem:$0x18000] =	vst v63  }
0x1ac: {  	_ =	swait.ge [sflag:s11], $0x8000  }
0x1ad: {  	[sflag:s11] =	ssyncset.done $0x0  }
0x1ae: {  	s1 =	rddreg [dreg:$0x19];
	[sflag:s11] =	ssyncadd.s32 $0xFFFF8000  }
0x1af: {  	[hbm4b:s1+s2] =	stream.linear.scatter [tilespmem:s4], [sflag:$0x5], $0x8000, $0x38;
	[tilespmem:$0x18000] =	vst v63  }
0x1b0: {  	_ =	swait.ge [sflag:s7], $0x8000  }
0x1b1: {  	[sflag:s7] =	ssyncset.done $0x0  }
0x1b2: {  	s1 =	rddreg [dreg:$0x1a];
	[sflag:s7] =	ssyncadd.s32 $0xFFFF8000  }
0x1b3: {  	[tilespmem:s2], [sflag:$0x1] =	stream.linear.gather [hbm4b:s1+s2], $0x8000, $0x38;
	[tilespmem:$0x18000] =	vst v63  }
0x1b4: {  	_ =	swait.ge [sflag:s20], $0x8000  }
0x1b5: {  	[sflag:s20] =	ssyncset.done $0x0  }
0x1b6: {  	s1 =	rddreg [dreg:$0x1b];
	[sflag:s20] =	ssyncadd.s32 $0xFFFF8000  }
0x1b7: {  	[hbm4b:s1+s2] =	stream.linear.scatter [tilespmem:s17], [sflag:$0x6], $0x8000, $0x38;
	[tilespmem:$0x18000] =	vst v63  }
0x1b8: {  	_ =	swait.ge [sflag:s5], $0x8000  }
0x1b9: {  	[sflag:s5] =	ssyncset.done $0x0  }
0x1ba: {  	s1 =	rddreg [dreg:$0x1c];
	[sflag:s5] =	ssyncadd.s32 $0xFFFF8000  }
0x1bb: {  	[tilespmem:s4], [sflag:$0x2] =	stream.linear.gather [hbm4b:s1+s2], $0x8000, $0x38;
	[tilespmem:$0x18000] =	vst v63  }
0x1bc: {  	_ =	swait.ge [sflag:s9], $0x8000  }
0x1bd: {  	[sflag:s9] =	ssyncset.done $0x0  }
0x1be: {  	s1 =	rddreg [dreg:$0x1d];
	[sflag:s9] =	ssyncadd.s32 $0xFFFF8000  }
0x1bf: {  	[hbm4b:s1+s2] =	stream.linear.scatter [tilespmem:s2], [sflag:$0x4], $0x8000, $0x38;
	[tilespmem:$0x18000] =	vst v63  }
0x1c0: {  	_ =	swait.ge [sflag:s12], $0x8000  }
0x1c1: {  	[sflag:s12] =	ssyncset.done $0x0  }
0x1c2: {  	s1 =	rddreg [dreg:$0x1e];
	[sflag:s12] =	ssyncadd.s32 $0xFFFF8000  }
0x1c3: {  	[tilespmem:s17], [sflag:$0x3] =	stream.linear.gather [hbm4b:s1+s2], $0x8000, $0x38;
	[tilespmem:$0x18000] =	vst v63  }
0x1c4: {  	_ =	swait.ge [sflag:s11], $0x8000  }
0x1c5: {  	[sflag:s11] =	ssyncset.done $0x0  }
0x1c6: {  	s1 =	rddreg [dreg:$0x1f];
	[sflag:s11] =	ssyncadd.s32 $0xFFFF8000  }
0x1c7: {  	[hbm4b:s1+s2] =	stream.linear.scatter [tilespmem:s4], [sflag:$0x5], $0x8000, $0x38;
	[tilespmem:$0x18000] =	vst v63  }
0x1c8: {  	_ =	swait.ge [sflag:s7], $0x8000  }
0x1c9: {  	s1 =	sld [smem:$0x7EF]  }
0x1ca: {  	[sflag:s7] =	ssyncset.done $0x0  }
0x1cb: {  	[sflag:s7] =	ssyncadd.s32 $0xFFFF8000  }
0x1cc: {  	[tilespmem:s2], [sflag:$0x1] =	stream.linear.gather [hbm4b:s1+s2], $0x8000, $0x38;
	[tilespmem:$0x18000] =	vst v63  }
0x1cd: {  	_ =	swait.ge [sflag:s20], $0x8000  }
0x1ce: {  	s1 =	sld [smem:$0x7F0]  }
0x1cf: {  	[sflag:s20] =	ssyncset.done $0x0  }
0x1d0: {  	[sflag:s20] =	ssyncadd.s32 $0xFFFF8000  }
0x1d1: {  	[hbm4b:s1+s2] =	stream.linear.scatter [tilespmem:s17], [sflag:$0x6], $0x8000, $0x38;
	[tilespmem:$0x18000] =	vst v63  }
0x1d2: {  	_ =	swait.ge [sflag:s5], $0x8000  }
0x1d3: {  	s1 =	sld [smem:$0x7F1]  }
0x1d4: {  	[sflag:s5] =	ssyncset.done $0x0  }
0x1d5: {  	[sflag:s5] =	ssyncadd.s32 $0xFFFF8000  }
0x1d6: {  	[tilespmem:s4], [sflag:$0x2] =	stream.linear.gather [hbm4b:s1+s2], $0x8000, $0x38;
	[tilespmem:$0x18000] =	vst v63  }
0x1d7: {  	_ =	swait.ge [sflag:s9], $0x8000  }
0x1d8: {  	s1 =	sld [smem:$0x7F2]  }
0x1d9: {  	[sflag:s9] =	ssyncset.done $0x0  }
0x1da: {  	[sflag:s9] =	ssyncadd.s32 $0xFFFF8000  }
0x1db: {  	[hbm4b:s1+s2] =	stream.linear.scatter [tilespmem:s2], [sflag:$0x4], $0x8000, $0x38;
	[tilespmem:$0x18000] =	vst v63  }
0x1dc: {  	_ =	swait.ge [sflag:s12], $0x8000  }
0x1dd: {  	s1 =	sld [smem:$0x7F3]  }
0x1de: {  	[sflag:s12] =	ssyncset.done $0x0  }
0x1df: {  	[sflag:s12] =	ssyncadd.s32 $0xFFFF8000  }
0x1e0: {  	[tilespmem:s17], [sflag:$0x3] =	stream.linear.gather [hbm4b:s1+s2], $0x8000, $0x38;
	[tilespmem:$0x18000] =	vst v63  }
0x1e1: {  	_ =	swait.ge [sflag:s11], $0x8000  }
0x1e2: {  	s1 =	sld [smem:$0x7F4]  }
0x1e3: {  	[sflag:s11] =	ssyncset.done $0x0  }
0x1e4: {  	[sflag:s11] =	ssyncadd.s32 $0xFFFF8000  }
0x1e5: {  	[hbm4b:s1+s2] =	stream.linear.scatter [tilespmem:s4], [sflag:$0x5], $0x8000, $0x38;
	[tilespmem:$0x18000] =	vst v63  }
0x1e6: {  	_ =	swait.ge [sflag:s7], $0x8000  }
0x1e7: {  	s1 =	sld [smem:$0x7F5]  }
0x1e8: {  	[sflag:s7] =	ssyncset.done $0x0  }
0x1e9: {  	[sflag:s7] =	ssyncadd.s32 $0xFFFF8000  }
0x1ea: {  	[tilespmem:s2], [sflag:$0x1] =	stream.linear.gather [hbm4b:s1+s2], $0x8000, $0x38;
	[tilespmem:$0x18000] =	vst v63  }
0x1eb: {  	_ =	swait.ge [sflag:s20], $0x8000  }
0x1ec: {  	s1 =	sld [smem:$0x7F6]  }
0x1ed: {  	[sflag:s20] =	ssyncset.done $0x0  }
0x1ee: {  	[sflag:s20] =	ssyncadd.s32 $0xFFFF8000  }
0x1ef: {  	[hbm4b:s1+s2] =	stream.linear.scatter [tilespmem:s17], [sflag:$0x6], $0x8000, $0x38;
	[tilespmem:$0x18000] =	vst v63  }
0x1f0: {  	_ =	swait.ge [sflag:s5], $0x8000  }
0x1f1: {  	s1 =	sld [smem:$0x7F7]  }
0x1f2: {  	[sflag:s5] =	ssyncset.done $0x0  }
0x1f3: {  	[sflag:s5] =	ssyncadd.s32 $0xFFFF8000  }
0x1f4: {  	[tilespmem:s4], [sflag:$0x2] =	stream.linear.gather [hbm4b:s1+s2], $0x8000, $0x38;
	[tilespmem:$0x18000] =	vst v63  }
0x1f5: {  	_ =	swait.ge [sflag:s9], $0x8000  }
0x1f6: {  	s1 =	sld [smem:$0x7F8]  }
0x1f7: {  	[sflag:s9] =	ssyncset.done $0x0  }
0x1f8: {  	[sflag:s9] =	ssyncadd.s32 $0xFFFF8000  }
0x1f9: {  	[hbm4b:s1+s2] =	stream.linear.scatter [tilespmem:s2], [sflag:$0x4], $0x8000, $0x38;
	[tilespmem:$0x18000] =	vst v63  }
0x1fa: {  	_ =	swait.ge [sflag:s12], $0x8000  }
0x1fb: {  	s1 =	sld [smem:$0x7F9]  }
0x1fc: {  	[sflag:s12] =	ssyncset.done $0x0  }
0x1fd: {  	[sflag:s12] =	ssyncadd.s32 $0xFFFF8000  }
0x1fe: {  	[tilespmem:s17], [sflag:$0x3] =	stream.linear.gather [hbm4b:s1+s2], $0x8000, $0x38;
	[tilespmem:$0x18000] =	vst v63  }
0x1ff: {  	_ =	swait.ge [sflag:s11], $0x8000  }
0x200: {  	s1 =	sld [smem:$0x7FA]  }
0x201: {  	[sflag:s11] =	ssyncset.done $0x0  }
0x202: {  	[sflag:s11] =	ssyncadd.s32 $0xFFFF8000  }
0x203: {  	[hbm4b:s1+s2] =	stream.linear.scatter [tilespmem:s4], [sflag:$0x5], $0x8000, $0x38;
	[tilespmem:$0x18000] =	vst v63  }
0x204: {  	_ =	swait.ge [sflag:s7], $0x8000  }
0x205: {  	s1 =	sld [smem:$0x7FB]  }
0x206: {  	[sflag:s7] =	ssyncset.done $0x0  }
0x207: {  	[sflag:s7] =	ssyncadd.s32 $0xFFFF8000  }
0x208: {  	[tilespmem:s2], [sflag:$0x1] =	stream.linear.gather [hbm4b:s1+s2], $0x8000, $0x38;
	[tilespmem:$0x18000] =	vst v63  }
0x209: {  	_ =	swait.ge [sflag:s20], $0x8000  }
0x20a: {  	s1 =	sld [smem:$0x7FC]  }
0x20b: {  	[sflag:s20] =	ssyncset.done $0x0  }
0x20c: {  	[sflag:s20] =	ssyncadd.s32 $0xFFFF8000  }
0x20d: {  	[hbm4b:s1+s2] =	stream.linear.scatter [tilespmem:s17], [sflag:$0x6], $0x8000, $0x38;
	[tilespmem:$0x18000] =	vst v63  }
0x20e: {  	_ =	swait.ge [sflag:s5], $0x8000  }
0x20f: {  	s1 =	sld [smem:$0x7FD]  }
0x210: {  	[sflag:s5] =	ssyncset.done $0x0  }
0x211: {  	[sflag:s5] =	ssyncadd.s32 $0xFFFF8000  }
0x212: {  	[tilespmem:s4], [sflag:$0x2] =	stream.linear.gather [hbm4b:s1+s2], $0x8000, $0x38;
	[tilespmem:$0x18000] =	vst v63  }
0x213: {  	_ =	swait.ge [sflag:s9], $0x8000  }
0x214: {  	[sflag:s9] =	ssyncset.done $0x0  }
0x215: {  	[sflag:s9] =	ssyncadd.s32 $0xFFFF8000  }
0x216: {  	[hbm4b:s31+s2] =	stream.linear.scatter [tilespmem:s2], [sflag:$0x4], $0x8000, $0x38;
	[tilespmem:$0x18000] =	vst v63  }
0x217: {  	_ =	swait.ge [sflag:s12], $0x8000  }
0x218: {  	[sflag:s12] =	ssyncset.done $0x0  }
0x219: {  	[sflag:s12] =	ssyncadd.s32 $0xFFFF8000  }
0x21a: {  	[tilespmem:s17], [sflag:$0x3] =	stream.linear.gather [hbm4b:s30+s2], $0x8000, $0x38;
	[tilespmem:$0x18000] =	vst v63  }
0x21b: {  	_ =	swait.ge [sflag:s11], $0x8000  }
0x21c: {  	[sflag:s11] =	ssyncset.done $0x0  }
0x21d: {  	[sflag:s11] =	ssyncadd.s32 $0xFFFF8000  }
0x21e: {  	[hbm4b:s29+s2] =	stream.linear.scatter [tilespmem:s4], [sflag:$0x5], $0x8000, $0x38;
	[tilespmem:$0x18000] =	vst v63  }
0x21f: {  	_ =	swait.ge [sflag:s7], $0x8000  }
0x220: {  	[sflag:s7] =	ssyncset.done $0x0  }
0x221: {  	[sflag:s7] =	ssyncadd.s32 $0xFFFF8000  }
0x222: {  	[tilespmem:s2], [sflag:$0x1] =	stream.linear.gather [hbm4b:s28+s2], $0x8000, $0x38;
	[tilespmem:$0x18000] =	vst v63  }
0x223: {  	_ =	swait.ge [sflag:s20], $0x8000  }
0x224: {  	[sflag:s20] =	ssyncset.done $0x0  }
0x225: {  	[sflag:s20] =	ssyncadd.s32 $0xFFFF8000  }
0x226: {  	[hbm4b:s26+s2] =	stream.linear.scatter [tilespmem:s17], [sflag:$0x6], $0x8000, $0x38;
	[tilespmem:$0x18000] =	vst v63  }
0x227: {  	_ =	swait.ge [sflag:s5], $0x8000  }
0x228: {  	[sflag:s5] =	ssyncset.done $0x0  }
0x229: {  	[sflag:s5] =	ssyncadd.s32 $0xFFFF8000  }
0x22a: {  	[tilespmem:s4], [sflag:$0x2] =	stream.linear.gather [hbm4b:s25+s2], $0x8000, $0x38;
	[tilespmem:$0x18000] =	vst v63  }
0x22b: {  	_ =	swait.ge [sflag:s9], $0x8000  }
0x22c: {  	[sflag:s9] =	ssyncset.done $0x0  }
0x22d: {  	[sflag:s9] =	ssyncadd.s32 $0xFFFF8000  }
0x22e: {  	[hbm4b:s24+s2] =	stream.linear.scatter [tilespmem:s2], [sflag:$0x4], $0x8000, $0x38;
	[tilespmem:$0x18000] =	vst v63  }
0x22f: {  	_ =	swait.ge [sflag:s12], $0x8000  }
0x230: {  	[sflag:s12] =	ssyncset.done $0x0  }
0x231: {  	[sflag:s12] =	ssyncadd.s32 $0xFFFF8000  }
0x232: {  	[tilespmem:s17], [sflag:$0x3] =	stream.linear.gather [hbm4b:s23+s2], $0x8000, $0x38;
	[tilespmem:$0x18000] =	vst v63  }
0x233: {  	_ =	swait.ge [sflag:s11], $0x8000  }
0x234: {  	[sflag:s11] =	ssyncset.done $0x0  }
0x235: {  	[sflag:s11] =	ssyncadd.s32 $0xFFFF8000  }
0x236: {  	[hbm4b:s22+s2] =	stream.linear.scatter [tilespmem:s4], [sflag:$0x5], $0x8000, $0x38;
	[tilespmem:$0x18000] =	vst v63  }
0x237: {  	_ =	swait.ge [sflag:s7], $0x8000  }
0x238: {  	[sflag:s7] =	ssyncset.done $0x0  }
0x239: {  	[sflag:s7] =	ssyncadd.s32 $0xFFFF8000  }
0x23a: {  	[tilespmem:s2], [sflag:$0x1] =	stream.linear.gather [hbm4b:s21+s2], $0x8000, $0x38;
	[tilespmem:$0x18000] =	vst v63  }
0x23b: {  	_ =	swait.ge [sflag:s20], $0x8000  }
0x23c: {  	[sflag:s20] =	ssyncset.done $0x0  }
0x23d: {  	[sflag:s20] =	ssyncadd.s32 $0xFFFF8000  }
0x23e: {  	[hbm4b:s19+s2] =	stream.linear.scatter [tilespmem:s17], [sflag:$0x6], $0x8000, $0x38;
	[tilespmem:$0x18000] =	vst v63  }
0x23f: {  	_ =	swait.ge [sflag:s5], $0x8000  }
0x240: {  	[sflag:s5] =	ssyncset.done $0x0  }
0x241: {  	[sflag:s5] =	ssyncadd.s32 $0xFFFF8000  }
0x242: {  	[tilespmem:s4], [sflag:$0x2] =	stream.linear.gather [hbm4b:s18+s2], $0x8000, $0x38;
	[tilespmem:$0x18000] =	vst v63  }
0x243: {  	_ =	swait.ge [sflag:s9], $0x8000  }
0x244: {  	[sflag:s9] =	ssyncset.done $0x0  }
0x245: {  	[sflag:s9] =	ssyncadd.s32 $0xFFFF8000  }
0x246: {  	[hbm4b:s16+s2] =	stream.linear.scatter [tilespmem:s2], [sflag:$0x4], $0x8000, $0x38;
	[tilespmem:$0x18000] =	vst v63  }
0x247: {  	_ =	swait.ge [sflag:s12], $0x8000  }
0x248: {  	[sflag:s12] =	ssyncset.done $0x0  }
0x249: {  	[sflag:s12] =	ssyncadd.s32 $0xFFFF8000  }
0x24a: {  	[tilespmem:s17], [sflag:$0x3] =	stream.linear.gather [hbm4b:s15+s2], $0x8000, $0x38;
	[tilespmem:$0x18000] =	vst v63  }
0x24b: {  	_ =	swait.ge [sflag:s11], $0x8000  }
0x24c: {  	[sflag:s11] =	ssyncset.done $0x0  }
0x24d: {  	[sflag:s11] =	ssyncadd.s32 $0xFFFF8000  }
0x24e: {  	[hbm4b:s14+s2] =	stream.linear.scatter [tilespmem:s4], [sflag:$0x5], $0x8000, $0x38;
	[tilespmem:$0x18000] =	vst v63  }
0x24f: {  	_ =	swait.ge [sflag:s7], $0x8000  }
0x250: {  	[sflag:s7] =	ssyncset.done $0x0  }
0x251: {  	[sflag:s7] =	ssyncadd.s32 $0xFFFF8000  }
0x252: {  	[tilespmem:s2], [sflag:$0x1] =	stream.linear.gather [hbm4b:s13+s2], $0x8000, $0x38;
	[tilespmem:$0x18000] =	vst v63  }
0x253: {  	_ =	swait.ge [sflag:s20], $0x8000  }
0x254: {  	[sflag:s20] =	ssyncset.done $0x0  }
0x255: {  	[sflag:s20] =	ssyncadd.s32 $0xFFFF8000  }
0x256: {  	[hbm4b:s10+s2] =	stream.linear.scatter [tilespmem:s17], [sflag:$0x6], $0x8000, $0x38;
	[tilespmem:$0x18000] =	vst v63  }
0x257: {  	_ =	swait.ge [sflag:s5], $0x8000  }
0x258: {  	[sflag:s5] =	ssyncset.done $0x0  }
0x259: {  	[sflag:s5] =	ssyncadd.s32 $0xFFFF8000  }
0x25a: {  	[tilespmem:s4], [sflag:$0x2] =	stream.linear.gather [hbm4b:s8+s2], $0x8000, $0x38;
	[tilespmem:$0x18000] =	vst v63  }
0x25b: {  	_ =	swait.ge [sflag:s9], $0x8000  }
0x25c: {  	[sflag:s9] =	ssyncset.done $0x0  }
0x25d: {  	[sflag:s9] =	ssyncadd.s32 $0xFFFF8000  }
0x25e: {  	[hbm4b:s6+s2] =	stream.linear.scatter [tilespmem:s2], [sflag:$0x4], $0x8000, $0x38;
	[tilespmem:$0x18000] =	vst v63  }
0x25f: {  	_ =	swait.ge [sflag:s11], $0x8000  }
0x260: {  	[sflag:s11] =	ssyncset.done $0x0  }
0x261: {  	[sflag:s11] =	ssyncadd.s32 $0xFFFF8000  }
0x262: {  	[hbm4b:s3+s2] =	stream.linear.scatter [tilespmem:s4], [sflag:$0x5], $0x8000, $0x38;
	[tilespmem:$0x18000] =	vst v63  }
0x263: {  	_ =	swait.ge [sflag:s12], $0x8000  }
0x264: {  	[sflag:s12] =	ssyncset.done $0x0  }
0x265: {  	p1 =	sne.s32 s0, $0x1;
	[sflag:s12] =	ssyncadd.s32 $0xFFFF8000  }
.Ltmp2:
0x266: {  	_ =	swait.ge [sflag:s7], $0x8000;
	(pc) =	sbr.rel @p1 .LBB2_2-.Ltmp2, $4  }
0x267: {  	[sflag:s7] =	ssyncset.done $0x0  }
0x268: {  	[sflag:s7] =	ssyncadd.s32 $0xFFFF8000  }
0x269: {  	_ =	swait.ge [sflag:s5], $0x8000  }
0x26a: {  	s0 =	sadd.s32 $0xFFFFFFFF, s0;
	s1 =	rddreg [dreg:$0x3];
	[sflag:s5] =	ssyncset.done $0x0  }
.LBB2_3:
0x26b: {  	[sflag:s5] =	ssyncadd.s32 @p0 $0xFFFF8000  }
0x26c: {  	[tilespmem:s2], [sflag:$0x1] =	stream.linear.gather [hbm4b:s1+s2], $0x8000, $0x38;
	[tilespmem:$0x18000] =	vst v63  }
0x26d: {  	s0 =	rddreg [dreg:$0x4]  }
0x26e: {  	[tilespmem:s4], [sflag:$0x2] =	stream.linear.gather [hbm4b:s0+s2], $0x8000, $0x38;
	[tilespmem:$0x18000] =	vst v63  }
0x26f: {  	_ =	swait.ge [sflag:s9], $0x8000  }
0x270: {  	[sflag:s9] =	ssyncset.done $0x0  }
0x271: {  	s0 =	rddreg [dreg:$0x5];
	[sflag:s9] =	ssyncadd.s32 $0xFFFF8000  }
0x272: {  	[hbm4b:s0+s2] =	stream.linear.scatter [tilespmem:s2], [sflag:$0x4], $0x8000, $0x38;
	[tilespmem:$0x18000] =	vst v63  }
0x273: {  	s1 =	rddreg [dreg:$0x6]  }
0x274: {  	[tilespmem:s17], [sflag:$0x3] =	stream.linear.gather [hbm4b:s1+s2], $0x8000, $0x38;
	[tilespmem:$0x18000] =	vst v63  }
0x275: {  	_ =	swait.ge [sflag:s11], $0x8000  }
0x276: {  	[sflag:s11] =	ssyncset.done $0x0  }
0x277: {  	s1 =	rddreg [dreg:$0x7];
	[sflag:s11] =	ssyncadd.s32 $0xFFFF8000  }
0x278: {  	[hbm4b:s1+s2] =	stream.linear.scatter [tilespmem:s4], [sflag:$0x5], $0x8000, $0x38;
	[tilespmem:$0x18000] =	vst v63  }
0x279: {  	_ =	swait.ge [sflag:s7], $0x8000  }
0x27a: {  	[sflag:s7] =	ssyncset.done $0x0  }
0x27b: {  	s1 =	rddreg [dreg:$0x8];
	[sflag:s7] =	ssyncadd.s32 $0xFFFF8000  }
0x27c: {  	[tilespmem:s2], [sflag:$0x1] =	stream.linear.gather [hbm4b:s1+s2], $0x8000, $0x38;
	[tilespmem:$0x18000] =	vst v63  }
0x27d: {  	_ =	swait.ge [sflag:s20], $0x8000  }
0x27e: {  	[sflag:s20] =	ssyncset.done $0x0  }
0x27f: {  	s1 =	rddreg [dreg:$0x9];
	[sflag:s20] =	ssyncadd.s32 $0xFFFF8000  }
0x280: {  	[hbm4b:s1+s2] =	stream.linear.scatter [tilespmem:s17], [sflag:$0x6], $0x8000, $0x38;
	[tilespmem:$0x18000] =	vst v63  }
0x281: {  	_ =	swait.ge [sflag:s5], $0x8000  }
0x282: {  	[sflag:s5] =	ssyncset.done $0x0  }
0x283: {  	s1 =	rddreg [dreg:$0xa];
	[sflag:s5] =	ssyncadd.s32 $0xFFFF8000  }
0x284: {  	[tilespmem:s4], [sflag:$0x2] =	stream.linear.gather [hbm4b:s1+s2], $0x8000, $0x38;
	[tilespmem:$0x18000] =	vst v63  }
0x285: {  	_ =	swait.ge [sflag:s9], $0x8000  }
0x286: {  	[sflag:s9] =	ssyncset.done $0x0  }
0x287: {  	s1 =	rddreg [dreg:$0xb];
	[sflag:s9] =	ssyncadd.s32 $0xFFFF8000  }
0x288: {  	[hbm4b:s1+s2] =	stream.linear.scatter [tilespmem:s2], [sflag:$0x4], $0x8000, $0x38;
	[tilespmem:$0x18000] =	vst v63  }
0x289: {  	_ =	swait.ge [sflag:s12], $0x8000  }
0x28a: {  	[sflag:s12] =	ssyncset.done $0x0  }
0x28b: {  	s1 =	rddreg [dreg:$0xc];
	[sflag:s12] =	ssyncadd.s32 $0xFFFF8000  }
0x28c: {  	[tilespmem:s17], [sflag:$0x3] =	stream.linear.gather [hbm4b:s1+s2], $0x8000, $0x38;
	[tilespmem:$0x18000] =	vst v63  }
0x28d: {  	_ =	swait.ge [sflag:s11], $0x8000  }
0x28e: {  	[sflag:s11] =	ssyncset.done $0x0  }
0x28f: {  	s1 =	rddreg [dreg:$0xd];
	[sflag:s11] =	ssyncadd.s32 $0xFFFF8000  }
0x290: {  	[hbm4b:s1+s2] =	stream.linear.scatter [tilespmem:s4], [sflag:$0x5], $0x8000, $0x38;
	[tilespmem:$0x18000] =	vst v63  }
0x291: {  	_ =	swait.ge [sflag:s7], $0x8000  }
0x292: {  	[sflag:s7] =	ssyncset.done $0x0  }
0x293: {  	s1 =	rddreg [dreg:$0xe];
	[sflag:s7] =	ssyncadd.s32 $0xFFFF8000  }
0x294: {  	[tilespmem:s2], [sflag:$0x1] =	stream.linear.gather [hbm4b:s1+s2], $0x8000, $0x38;
	[tilespmem:$0x18000] =	vst v63  }
0x295: {  	_ =	swait.ge [sflag:s20], $0x8000  }
0x296: {  	[sflag:s20] =	ssyncset.done $0x0  }
0x297: {  	s1 =	rddreg [dreg:$0xf];
	[sflag:s20] =	ssyncadd.s32 $0xFFFF8000  }
0x298: {  	[hbm4b:s1+s2] =	stream.linear.scatter [tilespmem:s17], [sflag:$0x6], $0x8000, $0x38;
	[tilespmem:$0x18000] =	vst v63  }
0x299: {  	_ =	swait.ge [sflag:s5], $0x8000  }
0x29a: {  	[sflag:s5] =	ssyncset.done $0x0  }
0x29b: {  	s1 =	rddreg [dreg:$0x10];
	[sflag:s5] =	ssyncadd.s32 $0xFFFF8000  }
0x29c: {  	[tilespmem:s4], [sflag:$0x2] =	stream.linear.gather [hbm4b:s1+s2], $0x8000, $0x38;
	[tilespmem:$0x18000] =	vst v63  }
0x29d: {  	_ =	swait.ge [sflag:s9], $0x8000  }
0x29e: {  	[sflag:s9] =	ssyncset.done $0x0  }
0x29f: {  	s1 =	rddreg [dreg:$0x11];
	[sflag:s9] =	ssyncadd.s32 $0xFFFF8000  }
0x2a0: {  	[hbm4b:s1+s2] =	stream.linear.scatter [tilespmem:s2], [sflag:$0x4], $0x8000, $0x38;
	[tilespmem:$0x18000] =	vst v63  }
0x2a1: {  	_ =	swait.ge [sflag:s12], $0x8000  }
0x2a2: {  	[sflag:s12] =	ssyncset.done $0x0  }
0x2a3: {  	s1 =	rddreg [dreg:$0x12];
	[sflag:s12] =	ssyncadd.s32 $0xFFFF8000  }
0x2a4: {  	[tilespmem:s17], [sflag:$0x3] =	stream.linear.gather [hbm4b:s1+s2], $0x8000, $0x38;
	[tilespmem:$0x18000] =	vst v63  }
0x2a5: {  	_ =	swait.ge [sflag:s11], $0x8000  }
0x2a6: {  	[sflag:s11] =	ssyncset.done $0x0  }
0x2a7: {  	s1 =	rddreg [dreg:$0x13];
	[sflag:s11] =	ssyncadd.s32 $0xFFFF8000  }
0x2a8: {  	[hbm4b:s1+s2] =	stream.linear.scatter [tilespmem:s4], [sflag:$0x5], $0x8000, $0x38;
	[tilespmem:$0x18000] =	vst v63  }
0x2a9: {  	_ =	swait.ge [sflag:s7], $0x8000  }
0x2aa: {  	[sflag:s7] =	ssyncset.done $0x0  }
0x2ab: {  	s1 =	rddreg [dreg:$0x14];
	[sflag:s7] =	ssyncadd.s32 $0xFFFF8000  }
0x2ac: {  	[tilespmem:s2], [sflag:$0x1] =	stream.linear.gather [hbm4b:s1+s2], $0x8000, $0x38;
	[tilespmem:$0x18000] =	vst v63  }
0x2ad: {  	_ =	swait.ge [sflag:s20], $0x8000  }
0x2ae: {  	[sflag:s20] =	ssyncset.done $0x0  }
0x2af: {  	s1 =	rddreg [dreg:$0x15];
	[sflag:s20] =	ssyncadd.s32 $0xFFFF8000  }
0x2b0: {  	[hbm4b:s1+s2] =	stream.linear.scatter [tilespmem:s17], [sflag:$0x6], $0x8000, $0x38;
	[tilespmem:$0x18000] =	vst v63  }
0x2b1: {  	_ =	swait.ge [sflag:s5], $0x8000  }
0x2b2: {  	[sflag:s5] =	ssyncset.done $0x0  }
0x2b3: {  	s1 =	rddreg [dreg:$0x16];
	[sflag:s5] =	ssyncadd.s32 $0xFFFF8000  }
0x2b4: {  	[tilespmem:s4], [sflag:$0x2] =	stream.linear.gather [hbm4b:s1+s2], $0x8000, $0x38;
	[tilespmem:$0x18000] =	vst v63  }
0x2b5: {  	_ =	swait.ge [sflag:s9], $0x8000  }
0x2b6: {  	[sflag:s9] =	ssyncset.done $0x0  }
0x2b7: {  	s1 =	rddreg [dreg:$0x17];
	[sflag:s9] =	ssyncadd.s32 $0xFFFF8000  }
0x2b8: {  	[hbm4b:s1+s2] =	stream.linear.scatter [tilespmem:s2], [sflag:$0x4], $0x8000, $0x38;
	[tilespmem:$0x18000] =	vst v63  }
0x2b9: {  	_ =	swait.ge [sflag:s12], $0x8000  }
0x2ba: {  	[sflag:s12] =	ssyncset.done $0x0  }
0x2bb: {  	s1 =	rddreg [dreg:$0x18];
	[sflag:s12] =	ssyncadd.s32 $0xFFFF8000  }
0x2bc: {  	[tilespmem:s17], [sflag:$0x3] =	stream.linear.gather [hbm4b:s1+s2], $0x8000, $0x38;
	[tilespmem:$0x18000] =	vst v63  }
0x2bd: {  	_ =	swait.ge [sflag:s11], $0x8000  }
0x2be: {  	[sflag:s11] =	ssyncset.done $0x0  }
0x2bf: {  	s1 =	rddreg [dreg:$0x19];
	[sflag:s11] =	ssyncadd.s32 $0xFFFF8000  }
0x2c0: {  	[hbm4b:s1+s2] =	stream.linear.scatter [tilespmem:s4], [sflag:$0x5], $0x8000, $0x38;
	[tilespmem:$0x18000] =	vst v63  }
0x2c1: {  	_ =	swait.ge [sflag:s7], $0x8000  }
0x2c2: {  	[sflag:s7] =	ssyncset.done $0x0  }
0x2c3: {  	s1 =	rddreg [dreg:$0x1a];
	[sflag:s7] =	ssyncadd.s32 $0xFFFF8000  }
0x2c4: {  	[tilespmem:s2], [sflag:$0x1] =	stream.linear.gather [hbm4b:s1+s2], $0x8000, $0x38;
	[tilespmem:$0x18000] =	vst v63  }
0x2c5: {  	_ =	swait.ge [sflag:s20], $0x8000  }
0x2c6: {  	[sflag:s20] =	ssyncset.done $0x0  }
0x2c7: {  	s1 =	rddreg [dreg:$0x1b];
	[sflag:s20] =	ssyncadd.s32 $0xFFFF8000  }
0x2c8: {  	[hbm4b:s1+s2] =	stream.linear.scatter [tilespmem:s17], [sflag:$0x6], $0x8000, $0x38;
	[tilespmem:$0x18000] =	vst v63  }
0x2c9: {  	_ =	swait.ge [sflag:s5], $0x8000  }
0x2ca: {  	[sflag:s5] =	ssyncset.done $0x0  }
0x2cb: {  	s1 =	rddreg [dreg:$0x1c];
	[sflag:s5] =	ssyncadd.s32 $0xFFFF8000  }
0x2cc: {  	[tilespmem:s4], [sflag:$0x2] =	stream.linear.gather [hbm4b:s1+s2], $0x8000, $0x38;
	[tilespmem:$0x18000] =	vst v63  }
0x2cd: {  	_ =	swait.ge [sflag:s9], $0x8000  }
0x2ce: {  	[sflag:s9] =	ssyncset.done $0x0  }
0x2cf: {  	s1 =	rddreg [dreg:$0x1d];
	[sflag:s9] =	ssyncadd.s32 $0xFFFF8000  }
0x2d0: {  	[hbm4b:s1+s2] =	stream.linear.scatter [tilespmem:s2], [sflag:$0x4], $0x8000, $0x38;
	[tilespmem:$0x18000] =	vst v63  }
0x2d1: {  	_ =	swait.ge [sflag:s12], $0x8000  }
0x2d2: {  	[sflag:s12] =	ssyncset.done $0x0  }
0x2d3: {  	s1 =	rddreg [dreg:$0x1e];
	[sflag:s12] =	ssyncadd.s32 $0xFFFF8000  }
0x2d4: {  	[tilespmem:s17], [sflag:$0x3] =	stream.linear.gather [hbm4b:s1+s2], $0x8000, $0x38;
	[tilespmem:$0x18000] =	vst v63  }
0x2d5: {  	_ =	swait.ge [sflag:s11], $0x8000  }
0x2d6: {  	[sflag:s11] =	ssyncset.done $0x0  }
0x2d7: {  	s1 =	rddreg [dreg:$0x1f];
	[sflag:s11] =	ssyncadd.s32 $0xFFFF8000  }
0x2d8: {  	[hbm4b:s1+s2] =	stream.linear.scatter [tilespmem:s4], [sflag:$0x5], $0x8000, $0x38;
	[tilespmem:$0x18000] =	vst v63  }
0x2d9: {  	_ =	swait.ge [sflag:s7], $0x8000  }
0x2da: {  	s1 =	sld [smem:$0x7EF]  }
0x2db: {  	[sflag:s7] =	ssyncset.done $0x0  }
0x2dc: {  	[sflag:s7] =	ssyncadd.s32 $0xFFFF8000  }
0x2dd: {  	[tilespmem:s2], [sflag:$0x1] =	stream.linear.gather [hbm4b:s1+s2], $0x8000, $0x38;
	[tilespmem:$0x18000] =	vst v63  }
0x2de: {  	_ =	swait.ge [sflag:s20], $0x8000  }
0x2df: {  	s1 =	sld [smem:$0x7F0]  }
0x2e0: {  	[sflag:s20] =	ssyncset.done $0x0  }
0x2e1: {  	[sflag:s20] =	ssyncadd.s32 $0xFFFF8000  }
0x2e2: {  	[hbm4b:s1+s2] =	stream.linear.scatter [tilespmem:s17], [sflag:$0x6], $0x8000, $0x38;
	[tilespmem:$0x18000] =	vst v63  }
0x2e3: {  	_ =	swait.ge [sflag:s5], $0x8000  }
0x2e4: {  	s1 =	sld [smem:$0x7F1]  }
0x2e5: {  	[sflag:s5] =	ssyncset.done $0x0  }
0x2e6: {  	[sflag:s5] =	ssyncadd.s32 $0xFFFF8000  }
0x2e7: {  	[tilespmem:s4], [sflag:$0x2] =	stream.linear.gather [hbm4b:s1+s2], $0x8000, $0x38;
	[tilespmem:$0x18000] =	vst v63  }
0x2e8: {  	_ =	swait.ge [sflag:s9], $0x8000  }
0x2e9: {  	s1 =	sld [smem:$0x7F2]  }
0x2ea: {  	[sflag:s9] =	ssyncset.done $0x0  }
0x2eb: {  	[sflag:s9] =	ssyncadd.s32 $0xFFFF8000  }
0x2ec: {  	[hbm4b:s1+s2] =	stream.linear.scatter [tilespmem:s2], [sflag:$0x4], $0x8000, $0x38;
	[tilespmem:$0x18000] =	vst v63  }
0x2ed: {  	_ =	swait.ge [sflag:s12], $0x8000  }
0x2ee: {  	s1 =	sld [smem:$0x7F3]  }
0x2ef: {  	[sflag:s12] =	ssyncset.done $0x0  }
0x2f0: {  	[sflag:s12] =	ssyncadd.s32 $0xFFFF8000  }
0x2f1: {  	[tilespmem:s17], [sflag:$0x3] =	stream.linear.gather [hbm4b:s1+s2], $0x8000, $0x38;
	[tilespmem:$0x18000] =	vst v63  }
0x2f2: {  	_ =	swait.ge [sflag:s11], $0x8000  }
0x2f3: {  	s1 =	sld [smem:$0x7F4]  }
0x2f4: {  	[sflag:s11] =	ssyncset.done $0x0  }
0x2f5: {  	[sflag:s11] =	ssyncadd.s32 $0xFFFF8000  }
0x2f6: {  	[hbm4b:s1+s2] =	stream.linear.scatter [tilespmem:s4], [sflag:$0x5], $0x8000, $0x38;
	[tilespmem:$0x18000] =	vst v63  }
0x2f7: {  	_ =	swait.ge [sflag:s7], $0x8000  }
0x2f8: {  	s1 =	sld [smem:$0x7F5]  }
0x2f9: {  	[sflag:s7] =	ssyncset.done $0x0  }
0x2fa: {  	[sflag:s7] =	ssyncadd.s32 $0xFFFF8000  }
0x2fb: {  	[tilespmem:s2], [sflag:$0x1] =	stream.linear.gather [hbm4b:s1+s2], $0x8000, $0x38;
	[tilespmem:$0x18000] =	vst v63  }
0x2fc: {  	_ =	swait.ge [sflag:s20], $0x8000  }
0x2fd: {  	s1 =	sld [smem:$0x7F6]  }
0x2fe: {  	[sflag:s20] =	ssyncset.done $0x0  }
0x2ff: {  	[sflag:s20] =	ssyncadd.s32 $0xFFFF8000  }
0x300: {  	[hbm4b:s1+s2] =	stream.linear.scatter [tilespmem:s17], [sflag:$0x6], $0x8000, $0x38;
	[tilespmem:$0x18000] =	vst v63  }
0x301: {  	_ =	swait.ge [sflag:s5], $0x8000  }
0x302: {  	s1 =	sld [smem:$0x7F7]  }
0x303: {  	[sflag:s5] =	ssyncset.done $0x0  }
0x304: {  	[sflag:s5] =	ssyncadd.s32 $0xFFFF8000  }
0x305: {  	[tilespmem:s4], [sflag:$0x2] =	stream.linear.gather [hbm4b:s1+s2], $0x8000, $0x38;
	[tilespmem:$0x18000] =	vst v63  }
0x306: {  	_ =	swait.ge [sflag:s9], $0x8000  }
0x307: {  	s1 =	sld [smem:$0x7F8]  }
0x308: {  	[sflag:s9] =	ssyncset.done $0x0  }
0x309: {  	[sflag:s9] =	ssyncadd.s32 $0xFFFF8000  }
0x30a: {  	[hbm4b:s1+s2] =	stream.linear.scatter [tilespmem:s2], [sflag:$0x4], $0x8000, $0x38;
	[tilespmem:$0x18000] =	vst v63  }
0x30b: {  	_ =	swait.ge [sflag:s12], $0x8000  }
0x30c: {  	s1 =	sld [smem:$0x7F9]  }
0x30d: {  	[sflag:s12] =	ssyncset.done $0x0  }
0x30e: {  	[sflag:s12] =	ssyncadd.s32 $0xFFFF8000  }
0x30f: {  	[tilespmem:s17], [sflag:$0x3] =	stream.linear.gather [hbm4b:s1+s2], $0x8000, $0x38;
	[tilespmem:$0x18000] =	vst v63  }
0x310: {  	_ =	swait.ge [sflag:s11], $0x8000  }
0x311: {  	s1 =	sld [smem:$0x7FA]  }
0x312: {  	[sflag:s11] =	ssyncset.done $0x0  }
0x313: {  	[sflag:s11] =	ssyncadd.s32 $0xFFFF8000  }
0x314: {  	[hbm4b:s1+s2] =	stream.linear.scatter [tilespmem:s4], [sflag:$0x5], $0x8000, $0x38;
	[tilespmem:$0x18000] =	vst v63  }
0x315: {  	_ =	swait.ge [sflag:s7], $0x8000  }
0x316: {  	s1 =	sld [smem:$0x7FB]  }
0x317: {  	[sflag:s7] =	ssyncset.done $0x0  }
0x318: {  	[sflag:s7] =	ssyncadd.s32 $0xFFFF8000  }
0x319: {  	[tilespmem:s2], [sflag:$0x1] =	stream.linear.gather [hbm4b:s1+s2], $0x8000, $0x38;
	[tilespmem:$0x18000] =	vst v63  }
0x31a: {  	_ =	swait.ge [sflag:s20], $0x8000  }
0x31b: {  	s1 =	sld [smem:$0x7FC]  }
0x31c: {  	[sflag:s20] =	ssyncset.done $0x0  }
0x31d: {  	[sflag:s20] =	ssyncadd.s32 $0xFFFF8000  }
0x31e: {  	[hbm4b:s1+s2] =	stream.linear.scatter [tilespmem:s17], [sflag:$0x6], $0x8000, $0x38;
	[tilespmem:$0x18000] =	vst v63  }
0x31f: {  	_ =	swait.ge [sflag:s5], $0x8000  }
0x320: {  	s1 =	sld [smem:$0x7FD]  }
0x321: {  	[sflag:s5] =	ssyncset.done $0x0  }
0x322: {  	[sflag:s5] =	ssyncadd.s32 $0xFFFF8000  }
0x323: {  	[tilespmem:s4], [sflag:$0x2] =	stream.linear.gather [hbm4b:s1+s2], $0x8000, $0x38;
	[tilespmem:$0x18000] =	vst v63  }
0x324: {  	_ =	swait.ge [sflag:s9], $0x8000  }
0x325: {  	[sflag:s9] =	ssyncset.done $0x0  }
0x326: {  	[sflag:s9] =	ssyncadd.s32 $0xFFFF8000  }
0x327: {  	[hbm4b:s31+s2] =	stream.linear.scatter [tilespmem:s2], [sflag:$0x4], $0x8000, $0x38;
	[tilespmem:$0x18000] =	vst v63  }
0x328: {  	_ =	swait.ge [sflag:s12], $0x8000  }
0x329: {  	[sflag:s12] =	ssyncset.done $0x0  }
0x32a: {  	[sflag:s12] =	ssyncadd.s32 $0xFFFF8000  }
0x32b: {  	[tilespmem:s17], [sflag:$0x3] =	stream.linear.gather [hbm4b:s30+s2], $0x8000, $0x38;
	[tilespmem:$0x18000] =	vst v63  }
0x32c: {  	_ =	swait.ge [sflag:s11], $0x8000  }
0x32d: {  	[sflag:s11] =	ssyncset.done $0x0  }
0x32e: {  	[sflag:s11] =	ssyncadd.s32 $0xFFFF8000  }
0x32f: {  	[hbm4b:s29+s2] =	stream.linear.scatter [tilespmem:s4], [sflag:$0x5], $0x8000, $0x38;
	[tilespmem:$0x18000] =	vst v63  }
0x330: {  	_ =	swait.ge [sflag:s7], $0x8000  }
0x331: {  	[sflag:s7] =	ssyncset.done $0x0  }
0x332: {  	[sflag:s7] =	ssyncadd.s32 $0xFFFF8000  }
0x333: {  	[tilespmem:s2], [sflag:$0x1] =	stream.linear.gather [hbm4b:s28+s2], $0x8000, $0x38;
	[tilespmem:$0x18000] =	vst v63  }
0x334: {  	_ =	swait.ge [sflag:s20], $0x8000  }
0x335: {  	[sflag:s20] =	ssyncset.done $0x0  }
0x336: {  	[sflag:s20] =	ssyncadd.s32 $0xFFFF8000  }
0x337: {  	[hbm4b:s26+s2] =	stream.linear.scatter [tilespmem:s17], [sflag:$0x6], $0x8000, $0x38;
	[tilespmem:$0x18000] =	vst v63  }
0x338: {  	_ =	swait.ge [sflag:s5], $0x8000  }
0x339: {  	[sflag:s5] =	ssyncset.done $0x0  }
0x33a: {  	[sflag:s5] =	ssyncadd.s32 $0xFFFF8000  }
0x33b: {  	[tilespmem:s4], [sflag:$0x2] =	stream.linear.gather [hbm4b:s25+s2], $0x8000, $0x38;
	[tilespmem:$0x18000] =	vst v63  }
0x33c: {  	_ =	swait.ge [sflag:s9], $0x8000  }
0x33d: {  	[sflag:s9] =	ssyncset.done $0x0  }
0x33e: {  	[sflag:s9] =	ssyncadd.s32 $0xFFFF8000  }
0x33f: {  	[hbm4b:s24+s2] =	stream.linear.scatter [tilespmem:s2], [sflag:$0x4], $0x8000, $0x38;
	[tilespmem:$0x18000] =	vst v63  }
0x340: {  	_ =	swait.ge [sflag:s12], $0x8000  }
0x341: {  	[sflag:s12] =	ssyncset.done $0x0  }
0x342: {  	[sflag:s12] =	ssyncadd.s32 $0xFFFF8000  }
0x343: {  	[tilespmem:s17], [sflag:$0x3] =	stream.linear.gather [hbm4b:s23+s2], $0x8000, $0x38;
	[tilespmem:$0x18000] =	vst v63  }
0x344: {  	_ =	swait.ge [sflag:s11], $0x8000  }
0x345: {  	[sflag:s11] =	ssyncset.done $0x0  }
0x346: {  	[sflag:s11] =	ssyncadd.s32 $0xFFFF8000  }
0x347: {  	[hbm4b:s22+s2] =	stream.linear.scatter [tilespmem:s4], [sflag:$0x5], $0x8000, $0x38;
	[tilespmem:$0x18000] =	vst v63  }
0x348: {  	_ =	swait.ge [sflag:s7], $0x8000  }
0x349: {  	[sflag:s7] =	ssyncset.done $0x0  }
0x34a: {  	[sflag:s7] =	ssyncadd.s32 $0xFFFF8000  }
0x34b: {  	[tilespmem:s2], [sflag:$0x1] =	stream.linear.gather [hbm4b:s21+s2], $0x8000, $0x38;
	[tilespmem:$0x18000] =	vst v63  }
0x34c: {  	_ =	swait.ge [sflag:s20], $0x8000  }
0x34d: {  	[sflag:s20] =	ssyncset.done $0x0  }
0x34e: {  	[sflag:s20] =	ssyncadd.s32 $0xFFFF8000  }
0x34f: {  	[hbm4b:s19+s2] =	stream.linear.scatter [tilespmem:s17], [sflag:$0x6], $0x8000, $0x38;
	[tilespmem:$0x18000] =	vst v63  }
0x350: {  	_ =	swait.ge [sflag:s5], $0x8000  }
0x351: {  	[sflag:s5] =	ssyncset.done $0x0  }
0x352: {  	[sflag:s5] =	ssyncadd.s32 $0xFFFF8000  }
0x353: {  	[tilespmem:s4], [sflag:$0x2] =	stream.linear.gather [hbm4b:s18+s2], $0x8000, $0x38;
	[tilespmem:$0x18000] =	vst v63  }
0x354: {  	_ =	swait.ge [sflag:s9], $0x8000  }
0x355: {  	[sflag:s9] =	ssyncset.done $0x0  }
0x356: {  	[sflag:s9] =	ssyncadd.s32 $0xFFFF8000  }
0x357: {  	[hbm4b:s16+s2] =	stream.linear.scatter [tilespmem:s2], [sflag:$0x4], $0x8000, $0x38;
	[tilespmem:$0x18000] =	vst v63  }
0x358: {  	_ =	swait.ge [sflag:s12], $0x8000  }
0x359: {  	[sflag:s12] =	ssyncset.done $0x0  }
0x35a: {  	[sflag:s12] =	ssyncadd.s32 $0xFFFF8000  }
0x35b: {  	[tilespmem:s17], [sflag:$0x3] =	stream.linear.gather [hbm4b:s15+s2], $0x8000, $0x38;
	[tilespmem:$0x18000] =	vst v63  }
0x35c: {  	_ =	swait.ge [sflag:s11], $0x8000  }
0x35d: {  	[sflag:s11] =	ssyncset.done $0x0  }
0x35e: {  	[sflag:s11] =	ssyncadd.s32 $0xFFFF8000  }
0x35f: {  	[hbm4b:s14+s2] =	stream.linear.scatter [tilespmem:s4], [sflag:$0x5], $0x8000, $0x38;
	[tilespmem:$0x18000] =	vst v63  }
0x360: {  	_ =	swait.ge [sflag:s7], $0x8000  }
0x361: {  	[sflag:s7] =	ssyncset.done $0x0  }
0x362: {  	[sflag:s7] =	ssyncadd.s32 $0xFFFF8000  }
0x363: {  	[tilespmem:s2], [sflag:$0x1] =	stream.linear.gather [hbm4b:s13+s2], $0x8000, $0x38;
	[tilespmem:$0x18000] =	vst v63  }
0x364: {  	_ =	swait.ge [sflag:s20], $0x8000  }
0x365: {  	[sflag:s20] =	ssyncset.done $0x0  }
0x366: {  	[sflag:s20] =	ssyncadd.s32 $0xFFFF8000  }
0x367: {  	[hbm4b:s10+s2] =	stream.linear.scatter [tilespmem:s17], [sflag:$0x6], $0x8000, $0x38;
	[tilespmem:$0x18000] =	vst v63  }
0x368: {  	_ =	swait.ge [sflag:s5], $0x8000  }
0x369: {  	[sflag:s5] =	ssyncset.done $0x0  }
0x36a: {  	[sflag:s5] =	ssyncadd.s32 $0xFFFF8000  }
0x36b: {  	[tilespmem:s4], [sflag:$0x2] =	stream.linear.gather [hbm4b:s8+s2], $0x8000, $0x38;
	[tilespmem:$0x18000] =	vst v63  }
0x36c: {  	_ =	swait.ge [sflag:s9], $0x8000  }
0x36d: {  	[sflag:s9] =	ssyncset.done $0x0  }
0x36e: {  	[sflag:s9] =	ssyncadd.s32 $0xFFFF8000  }
0x36f: {  	[hbm4b:s6+s2] =	stream.linear.scatter [tilespmem:s2], [sflag:$0x4], $0x8000, $0x38;
	[tilespmem:$0x18000] =	vst v63  }
0x370: {  	_ =	swait.ge [sflag:s11], $0x8000  }
0x371: {  	[sflag:s11] =	ssyncset.done $0x0  }
0x372: {  	[sflag:s11] =	ssyncadd.s32 $0xFFFF8000  }
0x373: {  	[hbm4b:s3+s2] =	stream.linear.scatter [tilespmem:s4], [sflag:$0x5], $0x8000, $0x38;
	[tilespmem:$0x18000] =	vst v63  }
0x374: {  	_ =	swait.ge [sflag:s12], $0x8000  }
0x375: {  	[sflag:s12] =	ssyncset.done $0x0  }
0x376: {  	[sflag:s12] =	ssyncadd.s32 $0xFFFF8000  }
0x377: {  	_ =	swait.ge [sflag:s7], $0x8000  }
0x378: {  	[sflag:s7] =	ssyncset.done $0x0  }
0x379: {  	[sflag:s7] =	ssyncadd.s32 $0xFFFF8000  }
0x37a: {  	_ =	swait.ge [sflag:s5], $0x8000  }
0x37b: {  	[sflag:s5] =	ssyncset.done $0x0  }
0x37c: {  	[sflag:s5] =	ssyncadd.s32 $0xFFFF8000  }
0x37d: {  	_ =	sfence.sel $0x180000  }
0x37e: {  	[bflag:$0x0] =	sbarrier.arrive $0xFFFF  }
0x37f: {  	_ =	strace $0x90000047  }
0x380: {  	s31 =	stileid.u32;
	[bflag:$0x2] =	sbarrier.arrive $0xFFFF  }
0x381: {  	p0 =	sne.s32 s31, $0x0;
	s0 =	rddreg [dreg:$0x2]  }
0x382: {  	s0 =	sadd.s32 @!p0 $0x100000, s0  }
0x383: {  	[sflag:s0] =	ssyncadd.tile.s32 @!p0 $0x1;
	_ =	shalt  }
.Lfunc_end2:
_tile_overlayer_lowered:
.L_overlay_start_2:
0x384: {  	(tag) =	ssettag $0x2  }
0x385: {  	s0 =	rddreg [dreg:$0x0];
	s2 =	stileid.u32  }
0x386: {  	s1 =	rddreg [dreg:$0x1];
	p0 =	sne.s32 s2, $0x0  }
0x387: {  	s3 =	rddreg [dreg:$0x2];
	[bflag:$0x3] =	sbarrier.arrive $0xFFFF;
	s2 =	simm.s32 @!p0 $0x1C07  }
0x388: {  	[timem:s3], [sflag:s2] =	dma.local @!p0 [hbm:s0], s1  }
0x389: {  	s0 =	simm.s32 @!p0 $0x7  }
0x38a: {  	_ =	swait.ge @!p0 [sflag:s0], s1  }
0x38b: {  	s1 =	ssub.s32 @!p0 $0x0, s1;
	[sflag:s0] =	ssyncset.done @!p0 $0x0  }
0x38c: {  	[sflag:s0] =	ssyncadd.s32 @!p0 s1  }
0x38d: {  	[bflag:$0x3] =	sbarrier.arrive $0xFFFF  }
0x38e: {  	_ =	shalt  }

</sc_bundles>
